<compile_context>
chip_gen: v7x
topology: tpu7x:2x2x1
jax: 0.10.2.dev20260603
libtpu: 0.0.44.dev20260713+nightly
codegen_flags: <defaults>
</compile_context>

<pallas_src>
import functools

import jax
import jax.numpy as jnp
from jax import lax
from jax.experimental import pallas as pl
from jax.experimental.pallas import tpu as pltpu
from jax.experimental.pallas import tpu_sc as plsc

N = 10000
NP = 10240
E = 320000
EP = 327680
D = 128
NC, NS = 2, 16
NW = NC * NS
EPW = EP // NW
CHUNK = 128
NCHUNK = EPW // CHUNK
HCH = CHUNK // 2
RPT = NP // NS
NBLK = NP // 128

@functools.lru_cache(maxsize=1)
def _sc_kernels():
    mesh = plsc.VectorSubcoreMesh(core_axis_name="c", subcore_axis_name="s")

    @functools.partial(
        pl.kernel,
        out_type=jax.ShapeDtypeStruct((NW, NP), jnp.float32),
        mesh=mesh,
        compiler_params=pltpu.CompilerParams(needs_layout_passes=False),
        scratch_types=[
            pltpu.VMEM((EPW,), jnp.int32),
            pltpu.VMEM((NP,), jnp.float32),
        ],
    )
    def sc_degree(dst_flat, zeros_np, deg_out, idx_v, acc_v):
        w = lax.axis_index("c") * NS + lax.axis_index("s")
        pltpu.sync_copy(zeros_np, acc_v)
        pltpu.sync_copy(dst_flat.at[w], idx_v)
        ones = jnp.ones((16,), jnp.float32)

        def body(i, carry):
            idx = idx_v[pl.ds(i * 16, 16)]
            plsc.addupdate_scatter(acc_v, [idx], ones)
            return carry

        lax.fori_loop(0, EPW // 16, body, 0)
        pltpu.sync_copy(acc_v, deg_out.at[w])

    @functools.partial(
        pl.kernel,
        out_type=jax.ShapeDtypeStruct((NC, NP, D), jnp.float32),
        mesh=mesh,
        compiler_params=pltpu.CompilerParams(needs_layout_passes=False),
        scratch_types=[
            pltpu.VMEM((NCHUNK, CHUNK), jnp.int32),
            pltpu.VMEM((2 * NCHUNK, HCH), jnp.int32),
            pltpu.VMEM((HCH, D), jnp.float32),
            pltpu.VMEM((HCH, D), jnp.float32),
            pltpu.VMEM_SHARED((NP, D), jnp.float32),
            pltpu.SemaphoreType.DMA,
            pltpu.SemaphoreType.DMA,
            pltpu.SemaphoreType.DMA,
            pltpu.SemaphoreType.DMA,
        ],
    )
    def sc_aggregate(t_hbm, src_r, dst_r, zrows, agg_out,
                     src_v, dst_v, rows_a, rows_b, acc_sh,
                     sem_ga, sem_gb, sem_sa, sem_sb):
        c = lax.axis_index("c")
        s = lax.axis_index("s")
        w = c * NS + s
        pltpu.sync_copy(zrows, acc_sh.at[pl.ds(s * RPT, RPT)])
        pltpu.sync_copy(src_r.at[w], src_v)
        pltpu.sync_copy(dst_r.at[w], dst_v)
        plsc.subcore_barrier()

        def gather(row, half, rows, sem):
            idx = src_v.at[row, pl.ds(half * HCH, HCH)]
            return pltpu.async_copy(t_hbm.at[idx], rows, sem)

        def scatter(j, rows, sem):
            return pltpu.async_copy(rows, acc_sh.at[dst_v.at[j]], sem,
                                    add=True)

        def gwait(row, half, rows, sem):
            idx = src_v.at[row, pl.ds(half * HCH, HCH)]
            pltpu.make_async_copy(t_hbm.at[idx], rows, sem).wait()

        def swait(j, rows, sem):
            pltpu.make_async_copy(rows, acc_sh.at[dst_v.at[j]], sem).wait()

        gather(0, 0, rows_a, sem_ga)
        gwait(0, 0, rows_a, sem_ga)
        gather(0, 1, rows_b, sem_gb)
        scatter(0, rows_a, sem_sa)

        def body(k, carry):
            ja = 2 * k
            jb = 2 * k + 1
            gwait(k, 1, rows_b, sem_gb)
            swait(ja, rows_a, sem_sa)
            gather(k + 1, 0, rows_a, sem_ga)
            scatter(jb, rows_b, sem_sb)
            gwait(k + 1, 0, rows_a, sem_ga)
            swait(jb, rows_b, sem_sb)
            gather(k + 1, 1, rows_b, sem_gb)
            scatter(jb + 1, rows_a, sem_sa)
            return carry

        lax.fori_loop(0, NCHUNK - 1, body, 0)
        jl = 2 * NCHUNK - 1
        gwait(NCHUNK - 1, 1, rows_b, sem_gb)
        swait(jl - 1, rows_a, sem_sa)
        scatter(jl, rows_b, sem_sb)
        swait(jl, rows_b, sem_sb)
        plsc.subcore_barrier()
        pltpu.sync_copy(acc_sh.at[pl.ds(s * RPT, RPT)],
                        agg_out.at[c, pl.ds(s * RPT, RPT)])

    return sc_degree, sc_aggregate


BR = 1024
NB2 = NP // BR


def _dcol(dinv_row):
    cols = []
    for k in range(BR // 128):
        piece = lax.slice(dinv_row, (0, k * 128), (1, (k + 1) * 128))
        ri = lax.broadcasted_iota(jnp.int32, (128, 128), 0)
        ci = lax.broadcasted_iota(jnp.int32, (128, 128), 1)
        dm = jnp.where(ri == ci, jnp.broadcast_to(piece, (128, 128)), 0.0)
        cols.append(jnp.sum(dm, axis=1, keepdims=True))
    return jnp.concatenate(cols, axis=0)


def _row_mask(b, h):
    rows = b * BR + lax.broadcasted_iota(jnp.int32, (BR, 128), 0)
    return jnp.where(rows < N, h, 0.0)


def _tc_layer1_body(x_ref, w1_ref, degp_ref, t1_ref, dinv_ref):
    deg = jnp.sum(degp_ref[...], axis=0, keepdims=True) + 1.0
    dinv = lax.rsqrt(deg)
    dinv_ref[...] = dinv[None]
    xw = jnp.dot(x_ref[...], w1_ref[...], preferred_element_type=jnp.float32)
    t1_ref[...] = xw * _dcol(dinv)


_tc_layer1 = pl.pallas_call(
    _tc_layer1_body,
    grid=(NB2,),
    in_specs=[
        pl.BlockSpec((BR, D), lambda b: (b, 0)),
        pl.BlockSpec((D, D), lambda b: (0, 0)),
        pl.BlockSpec((NW, BR), lambda b: (0, b)),
    ],
    out_specs=[
        pl.BlockSpec((BR, D), lambda b: (b, 0)),
        pl.BlockSpec((1, 1, BR), lambda b: (b, 0, 0)),
    ],
    out_shape=[
        jax.ShapeDtypeStruct((NP, D), jnp.float32),
        jax.ShapeDtypeStruct((NB2, 1, BR), jnp.float32),
    ],
)


def _tc_layer2_body(agg_ref, t1_ref, dinv_ref, w2_ref, b1_ref, t2_ref):
    b = pl.program_id(0)
    dc = _dcol(dinv_ref[0])
    s = agg_ref[0] + agg_ref[1] + t1_ref[...]
    pre = s * dc + b1_ref[...]
    h = _row_mask(b, jnp.maximum(pre, 0.0))
    hw = jnp.dot(h, w2_ref[...], preferred_element_type=jnp.float32)
    t2_ref[...] = hw * dc


_tc_layer2 = pl.pallas_call(
    _tc_layer2_body,
    grid=(NB2,),
    in_specs=[
        pl.BlockSpec((NC, BR, D), lambda b: (0, b, 0)),
        pl.BlockSpec((BR, D), lambda b: (b, 0)),
        pl.BlockSpec((1, 1, BR), lambda b: (b, 0, 0)),
        pl.BlockSpec((D, D), lambda b: (0, 0)),
        pl.BlockSpec((1, D), lambda b: (0, 0)),
    ],
    out_specs=pl.BlockSpec((BR, D), lambda b: (b, 0)),
    out_shape=jax.ShapeDtypeStruct((NP, D), jnp.float32),
)


def _tc_final_body(agg_ref, t2_ref, dinv_ref, b2_ref, fcw_ref, fcb_ref,
                   out_ref, acc_ref):
    b = pl.program_id(0)

    @pl.when(b == 0)
    def _():
        acc_ref[...] = jnp.zeros_like(acc_ref)

    dc = _dcol(dinv_ref[0])
    s = agg_ref[0] + agg_ref[1] + t2_ref[...]
    pre = s * dc + b2_ref[...]
    h = _row_mask(b, jnp.maximum(pre, 0.0))
    acc_ref[...] += jnp.sum(h, axis=0, keepdims=True)

    @pl.when(b == NB2 - 1)
    def _():
        pooled = acc_ref[...] * (1.0 / N)
        out_ref[...] = (jnp.sum(pooled * fcw_ref[...], axis=1, keepdims=True)
                        + fcb_ref[...])


_tc_final = pl.pallas_call(
    _tc_final_body,
    grid=(NB2,),
    in_specs=[
        pl.BlockSpec((NC, BR, D), lambda b: (0, b, 0)),
        pl.BlockSpec((BR, D), lambda b: (b, 0)),
        pl.BlockSpec((1, 1, BR), lambda b: (b, 0, 0)),
        pl.BlockSpec((1, D), lambda b: (0, 0)),
        pl.BlockSpec((1, D), lambda b: (0, 0)),
        pl.BlockSpec((1, 1), lambda b: (0, 0)),
    ],
    out_specs=pl.BlockSpec((1, 1), lambda b: (0, 0)),
    out_shape=jax.ShapeDtypeStruct((1, 1), jnp.float32),
    scratch_shapes=[pltpu.VMEM((1, 128), jnp.float32)],
)


def kernel(x, edge_index, edge_attr, W1, b1, W2, b2, edge_features, fc_w, fc_b):
    f32 = jnp.float32
    x_p = jnp.pad(x, ((0, NP - N), (0, 0)))
    pad_e = EP - E
    pad_cycle = N + (jnp.arange(pad_e, dtype=jnp.int32) % (NP - N))
    src_p = jnp.concatenate([edge_index[0].astype(jnp.int32), pad_cycle])
    dst_p = jnp.concatenate([edge_index[1].astype(jnp.int32), pad_cycle])
    src_r = src_p.reshape(NW, NCHUNK, CHUNK)
    dst_r = dst_p.reshape(NW, 2 * NCHUNK, HCH)
    dst_flat = dst_p.reshape(NW, EPW)
    zeros_np = jnp.zeros((NP,), f32)
    zrows = jnp.zeros((RPT, D), f32)

    sc_degree, sc_aggregate = _sc_kernels()
    deg_parts = sc_degree(dst_flat, zeros_np)
    t1, dinv = _tc_layer1(x_p, W1, deg_parts)
    agg1 = sc_aggregate(t1, src_r, dst_r, zrows)
    t2 = _tc_layer2(agg1, t1, dinv, W2, b1.reshape(1, D))
    agg2 = sc_aggregate(t2, src_r, dst_r, zrows)
    out = _tc_final(agg2, t2, dinv, b2.reshape(1, D),
                    fc_w.reshape(1, D), fc_b.reshape(1, 1))
    return out

# --- scband reference (transcript-rebuilt; emitter-appended) ---
"""Pipeline reference for scband-gnnmodel-28845000360148 (READ-ONLY COPY).

The authoritative reference and input builder live on the scoring server;
editing this copy changes nothing except your own understanding.
"""

import jax, jax.numpy as jnp
import numpy as np

N = 10000
E = 320000
D_IN = 128
D_HID = 128
D_OUT = 128


def gcn_conv(x, edge_index, W, b):
    # Standard GCNConv: add self-loops, symmetric degree normalization,
    # linear transform, scatter-add aggregation, bias.
    n = x.shape[0]
    loop = jnp.arange(n, dtype=edge_index.dtype)
    src = jnp.concatenate([edge_index[0], loop])
    dst = jnp.concatenate([edge_index[1], loop])
    deg = jnp.zeros((n,), x.dtype).at[dst].add(1.0)
    dinv = jax.lax.rsqrt(deg)
    norm = dinv[src] * dinv[dst]
    h = x @ W
    msg = jnp.take(h, src, axis=0) * norm[:, None]
    out = jnp.zeros((n, W.shape[1]), x.dtype).at[dst].add(msg)
    return out + b


def setup_inputs(seed: int = 0) -> dict:
    key = jax.random.key(seed)
    ks = jax.random.split(key, 8)
    x = jax.random.normal(ks[0], (N, D_IN), jnp.float32)
    edge_index = jax.random.randint(ks[1], (2, E), 0, N, dtype=jnp.int32)
    edge_attr = jax.random.normal(ks[2], (2 * E, 1), jnp.float32)
    W1 = jax.random.normal(ks[3], (D_IN, D_HID), jnp.float32) / np.sqrt(D_IN)
    b1 = jnp.zeros((D_HID,), jnp.float32)
    W2 = jax.random.normal(ks[4], (D_HID, D_OUT), jnp.float32) / np.sqrt(D_HID)
    b2 = jnp.zeros((D_OUT,), jnp.float32)
    edge_features = jnp.ones((E, 1), jnp.float32)
    fc_w = jax.random.normal(ks[5], (D_OUT, 1), jnp.float32) / np.sqrt(D_OUT)
    fc_b = jnp.zeros((1,), jnp.float32)
    return {
        "x": x,
        "edge_index": edge_index,
        "edge_attr": edge_attr,
        "W1": W1,
        "b1": b1,
        "W2": W2,
        "b2": b2,
        "edge_features": edge_features,
        "fc_w": fc_w,
        "fc_b": fc_b,
    }


def reference(x, edge_index, edge_attr, W1, b1, W2, b2, edge_features, fc_w, fc_b):
    # edge_attr is scaled by the learned per-edge features (repeated 2x along dim 0),
    # exactly as in the torch forward; the result is not consumed downstream
    # (the original forward discards it), so it is computed for faithfulness only.
    ea = edge_attr * jnp.tile(edge_features, (2, 1))
    h = jax.nn.relu(gcn_conv(x, edge_index, W1, b1))
    h = jax.nn.relu(gcn_conv(h, edge_index, W2, b2))
    # global_mean_pool with batch = zeros -> mean over all nodes, one graph
    pooled = jnp.mean(h, axis=0, keepdims=True)
    out = pooled @ fc_w + fc_b
    return out

if __name__ == "__main__":
    import jax
    _d = setup_inputs()
    print(jax.jit(kernel)(*tuple(_d.values())))

</pallas_src>

<mosaic_0001>
#map = affine_map<(d0, d1) -> (0, 0)>
#map1 = affine_map<(d0, d1) -> (0)>
module attributes {stable_mosaic.version = 14 : i64} {
  func.func @sc_degree(%arg0: i32, %arg1: i32, %arg2: memref<32x10240xi32, #tpu.memory_space<hbm>>, %arg3: memref<10240xf32, #tpu.memory_space<hbm>>, %arg4: memref<32x10240xf32, #tpu.memory_space<hbm>>, %arg5: memref<10240xi32, #tpu.memory_space<vmem>>, %arg6: memref<10240xf32, #tpu.memory_space<vmem>>) attributes {dimension_semantics = [#tpu.dimension_semantics<core_parallel>, #tpu.dimension_semantics<subcore_parallel>], iteration_bounds = array<i64: 2, 16>, scalar_prefetch = 0 : i64, scratch_operands = 2 : i64, tpu.core_type = #tpu.core_type<sc_vector_subcore>, window_params = [{transform_indices = #map}, {transform_indices = #map1}, {transform_indices = #map}]} {
    %mul3A = arith.constant 16 : i32
    %mul3A_0 = arith.muli %arg0, %mul3A : i32
    %add3A = arith.addi %mul3A_0, %arg1 : i32
    "tpu.region"() ({
      %run_scoped3A = tpu.sem_alloc : memref<!tpu.dma_semaphore, #tpu.memory_space<semaphore_mem>>
      tpu.enqueue_dma source(%arg3 : memref<10240xf32, #tpu.memory_space<hbm>>) target(%arg6 : memref<10240xf32, #tpu.memory_space<vmem>>) target_semaphore(%run_scoped3A : memref<!tpu.dma_semaphore, #tpu.memory_space<semaphore_mem>>)
      tpu.wait_dma2 semaphore(%run_scoped3A : memref<!tpu.dma_semaphore, #tpu.memory_space<semaphore_mem>>) src(%arg3 : memref<10240xf32, #tpu.memory_space<hbm>>) dst(%arg6 : memref<10240xf32, #tpu.memory_space<vmem>>)
      tpu.yield
    }) : () -> ()
    "tpu.region"() ({
      %run_scoped3A = tpu.sem_alloc : memref<!tpu.dma_semaphore, #tpu.memory_space<semaphore_mem>>
      %dma_start3A = arith.constant 0 : i32
      %dma_start3A_7 = tpu.memref_slice %arg2[%add3A, %dma_start3A] : memref<32x10240xi32, #tpu.memory_space<hbm>> -> memref<1x10240xi32, #tpu.memory_space<hbm>>
      %dma_start3A_8 = tpu.memref_squeeze %dma_start3A_7 : memref<1x10240xi32, #tpu.memory_space<hbm>> -> memref<10240xi32, #tpu.memory_space<hbm>>
      %dma_start3A_9 = arith.constant 0 : i32
      %dma_start3A_10 = tpu.memref_slice %arg2[%add3A, %dma_start3A_9] : memref<32x10240xi32, #tpu.memory_space<hbm>> -> memref<1x10240xi32, #tpu.memory_space<hbm>>
      %dma_start3A_11 = tpu.memref_squeeze %dma_start3A_10 : memref<1x10240xi32, #tpu.memory_space<hbm>> -> memref<10240xi32, #tpu.memory_space<hbm>>
      tpu.enqueue_dma source(%dma_start3A_11 : memref<10240xi32, #tpu.memory_space<hbm>>) target(%arg5 : memref<10240xi32, #tpu.memory_space<vmem>>) target_semaphore(%run_scoped3A : memref<!tpu.dma_semaphore, #tpu.memory_space<semaphore_mem>>)
      %dma_wait3A = arith.constant 0 : i32
      %dma_wait3A_12 = tpu.memref_slice %arg2[%add3A, %dma_wait3A] : memref<32x10240xi32, #tpu.memory_space<hbm>> -> memref<1x10240xi32, #tpu.memory_space<hbm>>
      %dma_wait3A_13 = tpu.memref_squeeze %dma_wait3A_12 : memref<1x10240xi32, #tpu.memory_space<hbm>> -> memref<10240xi32, #tpu.memory_space<hbm>>
      %dma_wait3A_14 = arith.constant 0 : i32
      %dma_wait3A_15 = tpu.memref_slice %arg2[%add3A, %dma_wait3A_14] : memref<32x10240xi32, #tpu.memory_space<hbm>> -> memref<1x10240xi32, #tpu.memory_space<hbm>>
      %dma_wait3A_16 = tpu.memref_squeeze %dma_wait3A_15 : memref<1x10240xi32, #tpu.memory_space<hbm>> -> memref<10240xi32, #tpu.memory_space<hbm>>
      tpu.wait_dma2 semaphore(%run_scoped3A : memref<!tpu.dma_semaphore, #tpu.memory_space<semaphore_mem>>) src(%dma_wait3A_16 : memref<10240xi32, #tpu.memory_space<hbm>>) dst(%arg5 : memref<10240xi32, #tpu.memory_space<vmem>>)
      tpu.yield
    }) : () -> ()
    %broadcast_in_dim3A = arith.constant 1.000000e+00 : f32
    %broadcast_in_dim3A_1 = vector.broadcast %broadcast_in_dim3A : f32 to vector<16xf32>
    %scan3A = arith.constant 0 : i32
    %scan3A_2 = arith.constant 0 : i32
    %scan3A_3 = arith.constant 640 : i32
    %scan3A_4 = arith.addi %scan3A_2, %scan3A_3 : i32
    %scan3A_5 = arith.constant 1 : i32
    scf.for %scan3A_7 = %scan3A_2 to %scan3A_4 step %scan3A_5  : i32 {
      %mul3A_8 = arith.constant 16 : i32
      %mul3A_9 = arith.muli %scan3A_7, %mul3A_8 : i32
      %get3A = arith.index_cast %mul3A_9 : i32 to index
      %get3A_10 = tpu.vector_load %arg5[%get3A] {strides = array<i32>} : memref<10240xi32, #tpu.memory_space<vmem>>, vector<16xi32>,
      tpu.vector_store_idx %arg6[%get3A_10], %broadcast_in_dim3A_1 {add = true} : memref<10240xf32, #tpu.memory_space<vmem>>[vector<16xi32>], vector<16xf32>,
    }
    %scan3A_6 = arith.constant 640 : i32
    "tpu.region"() ({
      %run_scoped3A = tpu.sem_alloc : memref<!tpu.dma_semaphore, #tpu.memory_space<semaphore_mem>>
      %dma_start3A = arith.constant 0 : i32
      %dma_start3A_7 = tpu.memref_slice %arg4[%add3A, %dma_start3A] : memref<32x10240xf32, #tpu.memory_space<hbm>> -> memref<1x10240xf32, #tpu.memory_space<hbm>>
      %dma_start3A_8 = tpu.memref_squeeze %dma_start3A_7 : memref<1x10240xf32, #tpu.memory_space<hbm>> -> memref<10240xf32, #tpu.memory_space<hbm>>
      %dma_start3A_9 = arith.constant 0 : i32
      %dma_start3A_10 = tpu.memref_slice %arg4[%add3A, %dma_start3A_9] : memref<32x10240xf32, #tpu.memory_space<hbm>> -> memref<1x10240xf32, #tpu.memory_space<hbm>>
      %dma_start3A_11 = tpu.memref_squeeze %dma_start3A_10 : memref<1x10240xf32, #tpu.memory_space<hbm>> -> memref<10240xf32, #tpu.memory_space<hbm>>
      tpu.enqueue_dma source(%arg6 : memref<10240xf32, #tpu.memory_space<vmem>>) target(%dma_start3A_11 : memref<10240xf32, #tpu.memory_space<hbm>>) target_semaphore(%run_scoped3A : memref<!tpu.dma_semaphore, #tpu.memory_space<semaphore_mem>>)
      %dma_wait3A = arith.constant 0 : i32
      %dma_wait3A_12 = tpu.memref_slice %arg4[%add3A, %dma_wait3A] : memref<32x10240xf32, #tpu.memory_space<hbm>> -> memref<1x10240xf32, #tpu.memory_space<hbm>>
      %dma_wait3A_13 = tpu.memref_squeeze %dma_wait3A_12 : memref<1x10240xf32, #tpu.memory_space<hbm>> -> memref<10240xf32, #tpu.memory_space<hbm>>
      %dma_wait3A_14 = arith.constant 0 : i32
      %dma_wait3A_15 = tpu.memref_slice %arg4[%add3A, %dma_wait3A_14] : memref<32x10240xf32, #tpu.memory_space<hbm>> -> memref<1x10240xf32, #tpu.memory_space<hbm>>
      %dma_wait3A_16 = tpu.memref_squeeze %dma_wait3A_15 : memref<1x10240xf32, #tpu.memory_space<hbm>> -> memref<10240xf32, #tpu.memory_space<hbm>>
      tpu.wait_dma2 semaphore(%run_scoped3A : memref<!tpu.dma_semaphore, #tpu.memory_space<semaphore_mem>>) src(%arg6 : memref<10240xf32, #tpu.memory_space<vmem>>) dst(%dma_wait3A_16 : memref<10240xf32, #tpu.memory_space<hbm>>)
      tpu.yield
    }) : () -> ()
    return
  }
}

#map = affine_map<(d0, d1) -> (0, 0)>
#map1 = affine_map<(d0, d1) -> (0, 0, 0)>
module attributes {stable_mosaic.version = 14 : i64} {
  func.func @sc_aggregate(%arg0: i32, %arg1: i32, %arg2: memref<10240x128xf32, #tpu.memory_space<hbm>>, %arg3: memref<32x80x128xi32, #tpu.memory_space<hbm>>, %arg4: memref<32x160x64xi32, #tpu.memory_space<hbm>>, %arg5: memref<640x128xf32, #tpu.memory_space<hbm>>, %arg6: memref<2x10240x128xf32, #tpu.memory_space<hbm>>, %arg7: memref<80x128xi32, #tpu.memory_space<vmem>>, %arg8: memref<160x64xi32, #tpu.memory_space<vmem>>, %arg9: memref<64x128xf32, #tpu.memory_space<vmem>>, %arg10: memref<64x128xf32, #tpu.memory_space<vmem>>, %arg11: memref<10240x128xf32, #tpu.memory_space<vmem_shared>>, %arg12: memref<!tpu.dma_semaphore, #tpu.memory_space<semaphore_mem>>, %arg13: memref<!tpu.dma_semaphore, #tpu.memory_space<semaphore_mem>>, %arg14: memref<!tpu.dma_semaphore, #tpu.memory_space<semaphore_mem>>, %arg15: memref<!tpu.dma_semaphore, #tpu.memory_space<semaphore_mem>>) attributes {dimension_semantics = [#tpu.dimension_semantics<core_parallel>, #tpu.dimension_semantics<subcore_parallel>], iteration_bounds = array<i64: 2, 16>, scalar_prefetch = 0 : i64, scratch_operands = 9 : i64, tpu.core_type = #tpu.core_type<sc_vector_subcore>, window_params = [{transform_indices = #map}, {transform_indices = #map1}, {transform_indices = #map1}, {transform_indices = #map}, {transform_indices = #map1}]} {
    %mul3A = arith.constant 16 : i32
    %mul3A_0 = arith.muli %arg0, %mul3A : i32
    %add3A = arith.addi %mul3A_0, %arg1 : i32
    %mul3A_1 = arith.constant 640 : i32
    %mul3A_2 = arith.muli %arg1, %mul3A_1 : i32
    "tpu.region"() ({
      %run_scoped3A = tpu.sem_alloc : memref<!tpu.dma_semaphore, #tpu.memory_space<semaphore_mem>>
      %dma_start3A_67 = arith.constant 0 : i32
      %dma_start3A_68 = tpu.memref_slice %arg11[%mul3A_2, %dma_start3A_67] : memref<10240x128xf32, #tpu.memory_space<vmem_shared>> -> memref<640x128xf32, #tpu.memory_space<vmem_shared>>
      tpu.enqueue_dma source(%arg5 : memref<640x128xf32, #tpu.memory_space<hbm>>) target(%dma_start3A_68 : memref<640x128xf32, #tpu.memory_space<vmem_shared>>) target_semaphore(%run_scoped3A : memref<!tpu.dma_semaphore, #tpu.memory_space<semaphore_mem>>)
      %dma_wait3A_69 = arith.constant 0 : i32
      %dma_wait3A_70 = tpu.memref_slice %arg11[%mul3A_2, %dma_wait3A_69] : memref<10240x128xf32, #tpu.memory_space<vmem_shared>> -> memref<640x128xf32, #tpu.memory_space<vmem_shared>>
      tpu.wait_dma2 semaphore(%run_scoped3A : memref<!tpu.dma_semaphore, #tpu.memory_space<semaphore_mem>>) src(%arg5 : memref<640x128xf32, #tpu.memory_space<hbm>>) dst(%dma_wait3A_70 : memref<640x128xf32, #tpu.memory_space<vmem_shared>>)
      tpu.yield
    }) : () -> ()
    "tpu.region"() ({
      %run_scoped3A = tpu.sem_alloc : memref<!tpu.dma_semaphore, #tpu.memory_space<semaphore_mem>>
      %dma_start3A_67 = arith.constant 0 : i32
      %dma_start3A_68 = arith.constant 0 : i32
      %dma_start3A_69 = tpu.memref_slice %arg3[%add3A, %dma_start3A_67, %dma_start3A_68] : memref<32x80x128xi32, #tpu.memory_space<hbm>> -> memref<1x80x128xi32, #tpu.memory_space<hbm>>
      %dma_start3A_70 = tpu.memref_squeeze %dma_start3A_69 : memref<1x80x128xi32, #tpu.memory_space<hbm>> -> memref<80x128xi32, #tpu.memory_space<hbm>>
      %dma_start3A_71 = arith.constant 0 : i32
      %dma_start3A_72 = arith.constant 0 : i32
      %dma_start3A_73 = tpu.memref_slice %arg3[%add3A, %dma_start3A_71, %dma_start3A_72] : memref<32x80x128xi32, #tpu.memory_space<hbm>> -> memref<1x80x128xi32, #tpu.memory_space<hbm>>
      %dma_start3A_74 = tpu.memref_squeeze %dma_start3A_73 : memref<1x80x128xi32, #tpu.memory_space<hbm>> -> memref<80x128xi32, #tpu.memory_space<hbm>>
      tpu.enqueue_dma source(%dma_start3A_74 : memref<80x128xi32, #tpu.memory_space<hbm>>) target(%arg7 : memref<80x128xi32, #tpu.memory_space<vmem>>) target_semaphore(%run_scoped3A : memref<!tpu.dma_semaphore, #tpu.memory_space<semaphore_mem>>)
      %dma_wait3A_75 = arith.constant 0 : i32
      %dma_wait3A_76 = arith.constant 0 : i32
      %dma_wait3A_77 = tpu.memref_slice %arg3[%add3A, %dma_wait3A_75, %dma_wait3A_76] : memref<32x80x128xi32, #tpu.memory_space<hbm>> -> memref<1x80x128xi32, #tpu.memory_space<hbm>>
      %dma_wait3A_78 = tpu.memref_squeeze %dma_wait3A_77 : memref<1x80x128xi32, #tpu.memory_space<hbm>> -> memref<80x128xi32, #tpu.memory_space<hbm>>
      %dma_wait3A_79 = arith.constant 0 : i32
      %dma_wait3A_80 = arith.constant 0 : i32
      %dma_wait3A_81 = tpu.memref_slice %arg3[%add3A, %dma_wait3A_79, %dma_wait3A_80] : memref<32x80x128xi32, #tpu.memory_space<hbm>> -> memref<1x80x128xi32, #tpu.memory_space<hbm>>
      %dma_wait3A_82 = tpu.memref_squeeze %dma_wait3A_81 : memref<1x80x128xi32, #tpu.memory_space<hbm>> -> memref<80x128xi32, #tpu.memory_space<hbm>>
      tpu.wait_dma2 semaphore(%run_scoped3A : memref<!tpu.dma_semaphore, #tpu.memory_space<semaphore_mem>>) src(%dma_wait3A_82 : memref<80x128xi32, #tpu.memory_space<hbm>>) dst(%arg7 : memref<80x128xi32, #tpu.memory_space<vmem>>)
      tpu.yield
    }) : () -> ()
    "tpu.region"() ({
      %run_scoped3A = tpu.sem_alloc : memref<!tpu.dma_semaphore, #tpu.memory_space<semaphore_mem>>
      %dma_start3A_67 = arith.constant 0 : i32
      %dma_start3A_68 = arith.constant 0 : i32
      %dma_start3A_69 = tpu.memref_slice %arg4[%add3A, %dma_start3A_67, %dma_start3A_68] : memref<32x160x64xi32, #tpu.memory_space<hbm>> -> memref<1x160x64xi32, #tpu.memory_space<hbm>>
      %dma_start3A_70 = tpu.memref_squeeze %dma_start3A_69 : memref<1x160x64xi32, #tpu.memory_space<hbm>> -> memref<160x64xi32, #tpu.memory_space<hbm>>
      %dma_start3A_71 = arith.constant 0 : i32
      %dma_start3A_72 = arith.constant 0 : i32
      %dma_start3A_73 = tpu.memref_slice %arg4[%add3A, %dma_start3A_71, %dma_start3A_72] : memref<32x160x64xi32, #tpu.memory_space<hbm>> -> memref<1x160x64xi32, #tpu.memory_space<hbm>>
      %dma_start3A_74 = tpu.memref_squeeze %dma_start3A_73 : memref<1x160x64xi32, #tpu.memory_space<hbm>> -> memref<160x64xi32, #tpu.memory_space<hbm>>
      tpu.enqueue_dma source(%dma_start3A_74 : memref<160x64xi32, #tpu.memory_space<hbm>>) target(%arg8 : memref<160x64xi32, #tpu.memory_space<vmem>>) target_semaphore(%run_scoped3A : memref<!tpu.dma_semaphore, #tpu.memory_space<semaphore_mem>>)
      %dma_wait3A_75 = arith.constant 0 : i32
      %dma_wait3A_76 = arith.constant 0 : i32
      %dma_wait3A_77 = tpu.memref_slice %arg4[%add3A, %dma_wait3A_75, %dma_wait3A_76] : memref<32x160x64xi32, #tpu.memory_space<hbm>> -> memref<1x160x64xi32, #tpu.memory_space<hbm>>
      %dma_wait3A_78 = tpu.memref_squeeze %dma_wait3A_77 : memref<1x160x64xi32, #tpu.memory_space<hbm>> -> memref<160x64xi32, #tpu.memory_space<hbm>>
      %dma_wait3A_79 = arith.constant 0 : i32
      %dma_wait3A_80 = arith.constant 0 : i32
      %dma_wait3A_81 = tpu.memref_slice %arg4[%add3A, %dma_wait3A_79, %dma_wait3A_80] : memref<32x160x64xi32, #tpu.memory_space<hbm>> -> memref<1x160x64xi32, #tpu.memory_space<hbm>>
      %dma_wait3A_82 = tpu.memref_squeeze %dma_wait3A_81 : memref<1x160x64xi32, #tpu.memory_space<hbm>> -> memref<160x64xi32, #tpu.memory_space<hbm>>
      tpu.wait_dma2 semaphore(%run_scoped3A : memref<!tpu.dma_semaphore, #tpu.memory_space<semaphore_mem>>) src(%dma_wait3A_82 : memref<160x64xi32, #tpu.memory_space<hbm>>) dst(%arg8 : memref<160x64xi32, #tpu.memory_space<vmem>>)
      tpu.yield
    }) : () -> ()
    %barrier3A = arith.constant 0 : index
    tpu.barrier barrier_id(%barrier3A)
    %dma_start3A = arith.constant 0 : i32
    %dma_start3A_3 = arith.constant 0 : i32
    %dma_start3A_4 = tpu.memref_slice %arg7[%dma_start3A, %dma_start3A_3] : memref<80x128xi32, #tpu.memory_space<vmem>> -> memref<1x64xi32, #tpu.memory_space<vmem>>
    %dma_start3A_5 = tpu.memref_squeeze %dma_start3A_4 : memref<1x64xi32, #tpu.memory_space<vmem>> -> memref<64xi32, #tpu.memory_space<vmem>>
    %dma_start3A_6 = arith.constant 0 : i32
    %dma_start3A_7 = arith.constant 0 : i32
    %dma_start3A_8 = tpu.memref_slice %arg2[%dma_start3A_6, %dma_start3A_7] : memref<10240x128xf32, #tpu.memory_space<hbm>> -> memref<10240x128xf32, #tpu.memory_space<hbm>>
    tpu.enqueue_indirect_dma source(%dma_start3A_8 : memref<10240x128xf32, #tpu.memory_space<hbm>>) target(%arg9 : memref<64x128xf32, #tpu.memory_space<vmem>>) offsets(%dma_start3A_5 : memref<64xi32, #tpu.memory_space<vmem>>) semaphore(%arg12 : memref<!tpu.dma_semaphore, #tpu.memory_space<semaphore_mem>>)
    %dma_wait3A = arith.constant 0 : i32
    %dma_wait3A_9 = arith.constant 0 : i32
    %dma_wait3A_10 = tpu.memref_slice %arg7[%dma_wait3A, %dma_wait3A_9] : memref<80x128xi32, #tpu.memory_space<vmem>> -> memref<1x64xi32, #tpu.memory_space<vmem>>
    %dma_wait3A_11 = tpu.memref_squeeze %dma_wait3A_10 : memref<1x64xi32, #tpu.memory_space<vmem>> -> memref<64xi32, #tpu.memory_space<vmem>>
    %dma_wait3A_12 = arith.constant 0 : i32
    %dma_wait3A_13 = arith.constant 0 : i32
    %dma_wait3A_14 = tpu.memref_slice %arg2[%dma_wait3A_12, %dma_wait3A_13] : memref<10240x128xf32, #tpu.memory_space<hbm>> -> memref<10240x128xf32, #tpu.memory_space<hbm>>
    tpu.wait_indirect_dma semaphore(%arg12 : memref<!tpu.dma_semaphore, #tpu.memory_space<semaphore_mem>>) src(%dma_wait3A_14 : memref<10240x128xf32, #tpu.memory_space<hbm>>) dst(%arg9 : memref<64x128xf32, #tpu.memory_space<vmem>>)
    %dma_start3A_15 = arith.constant 0 : i32
    %dma_start3A_16 = arith.constant 64 : i32
    %dma_start3A_17 = tpu.memref_slice %arg7[%dma_start3A_15, %dma_start3A_16] : memref<80x128xi32, #tpu.memory_space<vmem>> -> memref<1x64xi32, #tpu.memory_space<vmem>>
    %dma_start3A_18 = tpu.memref_squeeze %dma_start3A_17 : memref<1x64xi32, #tpu.memory_space<vmem>> -> memref<64xi32, #tpu.memory_space<vmem>>
    %dma_start3A_19 = arith.constant 0 : i32
    %dma_start3A_20 = arith.constant 0 : i32
    %dma_start3A_21 = tpu.memref_slice %arg2[%dma_start3A_19, %dma_start3A_20] : memref<10240x128xf32, #tpu.memory_space<hbm>> -> memref<10240x128xf32, #tpu.memory_space<hbm>>
    tpu.enqueue_indirect_dma source(%dma_start3A_21 : memref<10240x128xf32, #tpu.memory_space<hbm>>) target(%arg10 : memref<64x128xf32, #tpu.memory_space<vmem>>) offsets(%dma_start3A_18 : memref<64xi32, #tpu.memory_space<vmem>>) semaphore(%arg13 : memref<!tpu.dma_semaphore, #tpu.memory_space<semaphore_mem>>)
    %dma_start3A_22 = arith.constant 0 : i32
    %dma_start3A_23 = arith.constant 0 : i32
    %dma_start3A_24 = tpu.memref_slice %arg8[%dma_start3A_22, %dma_start3A_23] : memref<160x64xi32, #tpu.memory_space<vmem>> -> memref<1x64xi32, #tpu.memory_space<vmem>>
    %dma_start3A_25 = tpu.memref_squeeze %dma_start3A_24 : memref<1x64xi32, #tpu.memory_space<vmem>> -> memref<64xi32, #tpu.memory_space<vmem>>
    %dma_start3A_26 = arith.constant 0 : i32
    %dma_start3A_27 = arith.constant 0 : i32
    %dma_start3A_28 = tpu.memref_slice %arg11[%dma_start3A_26, %dma_start3A_27] : memref<10240x128xf32, #tpu.memory_space<vmem_shared>> -> memref<10240x128xf32, #tpu.memory_space<vmem_shared>>
    tpu.enqueue_indirect_dma source(%arg9 : memref<64x128xf32, #tpu.memory_space<vmem>>) target(%dma_start3A_28 : memref<10240x128xf32, #tpu.memory_space<vmem_shared>>) offsets(%dma_start3A_25 : memref<64xi32, #tpu.memory_space<vmem>>) semaphore(%arg14 : memref<!tpu.dma_semaphore, #tpu.memory_space<semaphore_mem>>) {add = true}
    %scan3A = arith.constant 0 : i32
    %scan3A_29 = arith.constant 0 : i32
    %scan3A_30 = arith.constant 79 : i32
    %scan3A_31 = arith.addi %scan3A_29, %scan3A_30 : i32
    %scan3A_32 = arith.constant 1 : i32
    scf.for %scan3A_67 = %scan3A_29 to %scan3A_31 step %scan3A_32  : i32 {
      %mul3A_68 = arith.constant 2 : i32
      %mul3A_69 = arith.muli %mul3A_68, %scan3A_67 : i32
      %mul3A_70 = arith.constant 2 : i32
      %mul3A_71 = arith.muli %mul3A_70, %scan3A_67 : i32
      %add3A_72 = arith.constant 1 : i32
      %add3A_73 = arith.addi %mul3A_71, %add3A_72 : i32
      %dma_wait3A_74 = arith.constant 64 : i32
      %dma_wait3A_75 = tpu.memref_slice %arg7[%scan3A_67, %dma_wait3A_74] : memref<80x128xi32, #tpu.memory_space<vmem>> -> memref<1x64xi32, #tpu.memory_space<vmem>>
      %dma_wait3A_76 = tpu.memref_squeeze %dma_wait3A_75 : memref<1x64xi32, #tpu.memory_space<vmem>> -> memref<64xi32, #tpu.memory_space<vmem>>
      %dma_wait3A_77 = arith.constant 0 : i32
      %dma_wait3A_78 = arith.constant 0 : i32
      %dma_wait3A_79 = tpu.memref_slice %arg2[%dma_wait3A_77, %dma_wait3A_78] : memref<10240x128xf32, #tpu.memory_space<hbm>> -> memref<10240x128xf32, #tpu.memory_space<hbm>>
      tpu.wait_indirect_dma semaphore(%arg13 : memref<!tpu.dma_semaphore, #tpu.memory_space<semaphore_mem>>) src(%dma_wait3A_79 : memref<10240x128xf32, #tpu.memory_space<hbm>>) dst(%arg10 : memref<64x128xf32, #tpu.memory_space<vmem>>)
      %dma_wait3A_80 = arith.constant 0 : i32
      %dma_wait3A_81 = tpu.memref_slice %arg8[%mul3A_69, %dma_wait3A_80] : memref<160x64xi32, #tpu.memory_space<vmem>> -> memref<1x64xi32, #tpu.memory_space<vmem>>
      %dma_wait3A_82 = tpu.memref_squeeze %dma_wait3A_81 : memref<1x64xi32, #tpu.memory_space<vmem>> -> memref<64xi32, #tpu.memory_space<vmem>>
      %dma_wait3A_83 = arith.constant 0 : i32
      %dma_wait3A_84 = arith.constant 0 : i32
      %dma_wait3A_85 = tpu.memref_slice %arg11[%dma_wait3A_83, %dma_wait3A_84] : memref<10240x128xf32, #tpu.memory_space<vmem_shared>> -> memref<10240x128xf32, #tpu.memory_space<vmem_shared>>
      tpu.wait_indirect_dma semaphore(%arg14 : memref<!tpu.dma_semaphore, #tpu.memory_space<semaphore_mem>>) src(%arg9 : memref<64x128xf32, #tpu.memory_space<vmem>>) dst(%dma_wait3A_85 : memref<10240x128xf32, #tpu.memory_space<vmem_shared>>)
      %add3A_86 = arith.constant 1 : i32
      %add3A_87 = arith.addi %scan3A_67, %add3A_86 : i32
      %dma_start3A_88 = arith.constant 0 : i32
      %dma_start3A_89 = tpu.memref_slice %arg7[%add3A_87, %dma_start3A_88] : memref<80x128xi32, #tpu.memory_space<vmem>> -> memref<1x64xi32, #tpu.memory_space<vmem>>
      %dma_start3A_90 = tpu.memref_squeeze %dma_start3A_89 : memref<1x64xi32, #tpu.memory_space<vmem>> -> memref<64xi32, #tpu.memory_space<vmem>>
      %dma_start3A_91 = arith.constant 0 : i32
      %dma_start3A_92 = arith.constant 0 : i32
      %dma_start3A_93 = tpu.memref_slice %arg2[%dma_start3A_91, %dma_start3A_92] : memref<10240x128xf32, #tpu.memory_space<hbm>> -> memref<10240x128xf32, #tpu.memory_space<hbm>>
      tpu.enqueue_indirect_dma source(%dma_start3A_93 : memref<10240x128xf32, #tpu.memory_space<hbm>>) target(%arg9 : memref<64x128xf32, #tpu.memory_space<vmem>>) offsets(%dma_start3A_90 : memref<64xi32, #tpu.memory_space<vmem>>) semaphore(%arg12 : memref<!tpu.dma_semaphore, #tpu.memory_space<semaphore_mem>>)
      %dma_start3A_94 = arith.constant 0 : i32
      %dma_start3A_95 = tpu.memref_slice %arg8[%add3A_73, %dma_start3A_94] : memref<160x64xi32, #tpu.memory_space<vmem>> -> memref<1x64xi32, #tpu.memory_space<vmem>>
      %dma_start3A_96 = tpu.memref_squeeze %dma_start3A_95 : memref<1x64xi32, #tpu.memory_space<vmem>> -> memref<64xi32, #tpu.memory_space<vmem>>
      %dma_start3A_97 = arith.constant 0 : i32
      %dma_start3A_98 = arith.constant 0 : i32
      %dma_start3A_99 = tpu.memref_slice %arg11[%dma_start3A_97, %dma_start3A_98] : memref<10240x128xf32, #tpu.memory_space<vmem_shared>> -> memref<10240x128xf32, #tpu.memory_space<vmem_shared>>
      tpu.enqueue_indirect_dma source(%arg10 : memref<64x128xf32, #tpu.memory_space<vmem>>) target(%dma_start3A_99 : memref<10240x128xf32, #tpu.memory_space<vmem_shared>>) offsets(%dma_start3A_96 : memref<64xi32, #tpu.memory_space<vmem>>) semaphore(%arg15 : memref<!tpu.dma_semaphore, #tpu.memory_space<semaphore_mem>>) {add = true}
      %add3A_100 = arith.constant 1 : i32
      %add3A_101 = arith.addi %scan3A_67, %add3A_100 : i32
      %dma_wait3A_102 = arith.constant 0 : i32
      %dma_wait3A_103 = tpu.memref_slice %arg7[%add3A_101, %dma_wait3A_102] : memref<80x128xi32, #tpu.memory_space<vmem>> -> memref<1x64xi32, #tpu.memory_space<vmem>>
      %dma_wait3A_104 = tpu.memref_squeeze %dma_wait3A_103 : memref<1x64xi32, #tpu.memory_space<vmem>> -> memref<64xi32, #tpu.memory_space<vmem>>
      %dma_wait3A_105 = arith.constant 0 : i32
      %dma_wait3A_106 = arith.constant 0 : i32
      %dma_wait3A_107 = tpu.memref_slice %arg2[%dma_wait3A_105, %dma_wait3A_106] : memref<10240x128xf32, #tpu.memory_space<hbm>> -> memref<10240x128xf32, #tpu.memory_space<hbm>>
      tpu.wait_indirect_dma semaphore(%arg12 : memref<!tpu.dma_semaphore, #tpu.memory_space<semaphore_mem>>) src(%dma_wait3A_107 : memref<10240x128xf32, #tpu.memory_space<hbm>>) dst(%arg9 : memref<64x128xf32, #tpu.memory_space<vmem>>)
      %dma_wait3A_108 = arith.constant 0 : i32
      %dma_wait3A_109 = tpu.memref_slice %arg8[%add3A_73, %dma_wait3A_108] : memref<160x64xi32, #tpu.memory_space<vmem>> -> memref<1x64xi32, #tpu.memory_space<vmem>>
      %dma_wait3A_110 = tpu.memref_squeeze %dma_wait3A_109 : memref<1x64xi32, #tpu.memory_space<vmem>> -> memref<64xi32, #tpu.memory_space<vmem>>
      %dma_wait3A_111 = arith.constant 0 : i32
      %dma_wait3A_112 = arith.constant 0 : i32
      %dma_wait3A_113 = tpu.memref_slice %arg11[%dma_wait3A_111, %dma_wait3A_112] : memref<10240x128xf32, #tpu.memory_space<vmem_shared>> -> memref<10240x128xf32, #tpu.memory_space<vmem_shared>>
      tpu.wait_indirect_dma semaphore(%arg15 : memref<!tpu.dma_semaphore, #tpu.memory_space<semaphore_mem>>) src(%arg10 : memref<64x128xf32, #tpu.memory_space<vmem>>) dst(%dma_wait3A_113 : memref<10240x128xf32, #tpu.memory_space<vmem_shared>>)
      %add3A_114 = arith.constant 1 : i32
      %add3A_115 = arith.addi %scan3A_67, %add3A_114 : i32
      %dma_start3A_116 = arith.constant 64 : i32
      %dma_start3A_117 = tpu.memref_slice %arg7[%add3A_115, %dma_start3A_116] : memref<80x128xi32, #tpu.memory_space<vmem>> -> memref<1x64xi32, #tpu.memory_space<vmem>>
      %dma_start3A_118 = tpu.memref_squeeze %dma_start3A_117 : memref<1x64xi32, #tpu.memory_space<vmem>> -> memref<64xi32, #tpu.memory_space<vmem>>
      %dma_start3A_119 = arith.constant 0 : i32
      %dma_start3A_120 = arith.constant 0 : i32
      %dma_start3A_121 = tpu.memref_slice %arg2[%dma_start3A_119, %dma_start3A_120] : memref<10240x128xf32, #tpu.memory_space<hbm>> -> memref<10240x128xf32, #tpu.memory_space<hbm>>
      tpu.enqueue_indirect_dma source(%dma_start3A_121 : memref<10240x128xf32, #tpu.memory_space<hbm>>) target(%arg10 : memref<64x128xf32, #tpu.memory_space<vmem>>) offsets(%dma_start3A_118 : memref<64xi32, #tpu.memory_space<vmem>>) semaphore(%arg13 : memref<!tpu.dma_semaphore, #tpu.memory_space<semaphore_mem>>)
      %add3A_122 = arith.constant 1 : i32
      %add3A_123 = arith.addi %add3A_73, %add3A_122 : i32
      %dma_start3A_124 = arith.constant 0 : i32
      %dma_start3A_125 = tpu.memref_slice %arg8[%add3A_123, %dma_start3A_124] : memref<160x64xi32, #tpu.memory_space<vmem>> -> memref<1x64xi32, #tpu.memory_space<vmem>>
      %dma_start3A_126 = tpu.memref_squeeze %dma_start3A_125 : memref<1x64xi32, #tpu.memory_space<vmem>> -> memref<64xi32, #tpu.memory_space<vmem>>
      %dma_start3A_127 = arith.constant 0 : i32
      %dma_start3A_128 = arith.constant 0 : i32
      %dma_start3A_129 = tpu.memref_slice %arg11[%dma_start3A_127, %dma_start3A_128] : memref<10240x128xf32, #tpu.memory_space<vmem_shared>> -> memref<10240x128xf32, #tpu.memory_space<vmem_shared>>
      tpu.enqueue_indirect_dma source(%arg9 : memref<64x128xf32, #tpu.memory_space<vmem>>) target(%dma_start3A_129 : memref<10240x128xf32, #tpu.memory_space<vmem_shared>>) offsets(%dma_start3A_126 : memref<64xi32, #tpu.memory_space<vmem>>) semaphore(%arg14 : memref<!tpu.dma_semaphore, #tpu.memory_space<semaphore_mem>>) {add = true}
    }
    %scan3A_33 = arith.constant 79 : i32
    %dma_wait3A_34 = arith.constant 79 : i32
    %dma_wait3A_35 = arith.constant 64 : i32
    %dma_wait3A_36 = tpu.memref_slice %arg7[%dma_wait3A_34, %dma_wait3A_35] : memref<80x128xi32, #tpu.memory_space<vmem>> -> memref<1x64xi32, #tpu.memory_space<vmem>>
    %dma_wait3A_37 = tpu.memref_squeeze %dma_wait3A_36 : memref<1x64xi32, #tpu.memory_space<vmem>> -> memref<64xi32, #tpu.memory_space<vmem>>
    %dma_wait3A_38 = arith.constant 0 : i32
    %dma_wait3A_39 = arith.constant 0 : i32
    %dma_wait3A_40 = tpu.memref_slice %arg2[%dma_wait3A_38, %dma_wait3A_39] : memref<10240x128xf32, #tpu.memory_space<hbm>> -> memref<10240x128xf32, #tpu.memory_space<hbm>>
    tpu.wait_indirect_dma semaphore(%arg13 : memref<!tpu.dma_semaphore, #tpu.memory_space<semaphore_mem>>) src(%dma_wait3A_40 : memref<10240x128xf32, #tpu.memory_space<hbm>>) dst(%arg10 : memref<64x128xf32, #tpu.memory_space<vmem>>)
    %dma_wait3A_41 = arith.constant 158 : i32
    %dma_wait3A_42 = arith.constant 0 : i32
    %dma_wait3A_43 = tpu.memref_slice %arg8[%dma_wait3A_41, %dma_wait3A_42] : memref<160x64xi32, #tpu.memory_space<vmem>> -> memref<1x64xi32, #tpu.memory_space<vmem>>
    %dma_wait3A_44 = tpu.memref_squeeze %dma_wait3A_43 : memref<1x64xi32, #tpu.memory_space<vmem>> -> memref<64xi32, #tpu.memory_space<vmem>>
    %dma_wait3A_45 = arith.constant 0 : i32
    %dma_wait3A_46 = arith.constant 0 : i32
    %dma_wait3A_47 = tpu.memref_slice %arg11[%dma_wait3A_45, %dma_wait3A_46] : memref<10240x128xf32, #tpu.memory_space<vmem_shared>> -> memref<10240x128xf32, #tpu.memory_space<vmem_shared>>
    tpu.wait_indirect_dma semaphore(%arg14 : memref<!tpu.dma_semaphore, #tpu.memory_space<semaphore_mem>>) src(%arg9 : memref<64x128xf32, #tpu.memory_space<vmem>>) dst(%dma_wait3A_47 : memref<10240x128xf32, #tpu.memory_space<vmem_shared>>)
    %dma_start3A_48 = arith.constant 159 : i32
    %dma_start3A_49 = arith.constant 0 : i32
    %dma_start3A_50 = tpu.memref_slice %arg8[%dma_start3A_48, %dma_start3A_49] : memref<160x64xi32, #tpu.memory_space<vmem>> -> memref<1x64xi32, #tpu.memory_space<vmem>>
    %dma_start3A_51 = tpu.memref_squeeze %dma_start3A_50 : memref<1x64xi32, #tpu.memory_space<vmem>> -> memref<64xi32, #tpu.memory_space<vmem>>
    %dma_start3A_52 = arith.constant 0 : i32
    %dma_start3A_53 = arith.constant 0 : i32
    %dma_start3A_54 = tpu.memref_slice %arg11[%dma_start3A_52, %dma_start3A_53] : memref<10240x128xf32, #tpu.memory_space<vmem_shared>> -> memref<10240x128xf32, #tpu.memory_space<vmem_shared>>
    tpu.enqueue_indirect_dma source(%arg10 : memref<64x128xf32, #tpu.memory_space<vmem>>) target(%dma_start3A_54 : memref<10240x128xf32, #tpu.memory_space<vmem_shared>>) offsets(%dma_start3A_51 : memref<64xi32, #tpu.memory_space<vmem>>) semaphore(%arg15 : memref<!tpu.dma_semaphore, #tpu.memory_space<semaphore_mem>>) {add = true}
    %dma_wait3A_55 = arith.constant 159 : i32
    %dma_wait3A_56 = arith.constant 0 : i32
    %dma_wait3A_57 = tpu.memref_slice %arg8[%dma_wait3A_55, %dma_wait3A_56] : memref<160x64xi32, #tpu.memory_space<vmem>> -> memref<1x64xi32, #tpu.memory_space<vmem>>
    %dma_wait3A_58 = tpu.memref_squeeze %dma_wait3A_57 : memref<1x64xi32, #tpu.memory_space<vmem>> -> memref<64xi32, #tpu.memory_space<vmem>>
    %dma_wait3A_59 = arith.constant 0 : i32
    %dma_wait3A_60 = arith.constant 0 : i32
    %dma_wait3A_61 = tpu.memref_slice %arg11[%dma_wait3A_59, %dma_wait3A_60] : memref<10240x128xf32, #tpu.memory_space<vmem_shared>> -> memref<10240x128xf32, #tpu.memory_space<vmem_shared>>
    tpu.wait_indirect_dma semaphore(%arg15 : memref<!tpu.dma_semaphore, #tpu.memory_space<semaphore_mem>>) src(%arg10 : memref<64x128xf32, #tpu.memory_space<vmem>>) dst(%dma_wait3A_61 : memref<10240x128xf32, #tpu.memory_space<vmem_shared>>)
    %barrier3A_62 = arith.constant 0 : index
    tpu.barrier barrier_id(%barrier3A_62)
    %mul3A_63 = arith.constant 640 : i32
    %mul3A_64 = arith.muli %arg1, %mul3A_63 : i32
    %mul3A_65 = arith.constant 640 : i32
    %mul3A_66 = arith.muli %arg1, %mul3A_65 : i32
    "tpu.region"() ({
      %run_scoped3A = tpu.sem_alloc : memref<!tpu.dma_semaphore, #tpu.memory_space<semaphore_mem>>
      %dma_start3A_67 = arith.constant 0 : i32
      %dma_start3A_68 = tpu.memref_slice %arg6[%arg0, %mul3A_66, %dma_start3A_67] : memref<2x10240x128xf32, #tpu.memory_space<hbm>> -> memref<1x640x128xf32, #tpu.memory_space<hbm>>
      %dma_start3A_69 = tpu.memref_squeeze %dma_start3A_68 : memref<1x640x128xf32, #tpu.memory_space<hbm>> -> memref<640x128xf32, #tpu.memory_space<hbm>>
      %dma_start3A_70 = arith.constant 0 : i32
      %dma_start3A_71 = tpu.memref_slice %arg11[%mul3A_64, %dma_start3A_70] : memref<10240x128xf32, #tpu.memory_space<vmem_shared>> -> memref<640x128xf32, #tpu.memory_space<vmem_shared>>
      tpu.enqueue_dma source(%dma_start3A_71 : memref<640x128xf32, #tpu.memory_space<vmem_shared>>) target(%dma_start3A_69 : memref<640x128xf32, #tpu.memory_space<hbm>>) target_semaphore(%run_scoped3A : memref<!tpu.dma_semaphore, #tpu.memory_space<semaphore_mem>>)
      %dma_wait3A_72 = arith.constant 0 : i32
      %dma_wait3A_73 = tpu.memref_slice %arg6[%arg0, %mul3A_66, %dma_wait3A_72] : memref<2x10240x128xf32, #tpu.memory_space<hbm>> -> memref<1x640x128xf32, #tpu.memory_space<hbm>>
      %dma_wait3A_74 = tpu.memref_squeeze %dma_wait3A_73 : memref<1x640x128xf32, #tpu.memory_space<hbm>> -> memref<640x128xf32, #tpu.memory_space<hbm>>
      %dma_wait3A_75 = arith.constant 0 : i32
      %dma_wait3A_76 = tpu.memref_slice %arg11[%mul3A_64, %dma_wait3A_75] : memref<10240x128xf32, #tpu.memory_space<vmem_shared>> -> memref<640x128xf32, #tpu.memory_space<vmem_shared>>
      tpu.wait_dma2 semaphore(%run_scoped3A : memref<!tpu.dma_semaphore, #tpu.memory_space<semaphore_mem>>) src(%dma_wait3A_76 : memref<640x128xf32, #tpu.memory_space<vmem_shared>>) dst(%dma_wait3A_74 : memref<640x128xf32, #tpu.memory_space<hbm>>)
      tpu.yield
    }) : () -> ()
    return
  }
}

#map = affine_map<(d0, d1) -> (0, 0)>
#map1 = affine_map<(d0, d1) -> (0, 0, 0)>
module attributes {stable_mosaic.version = 14 : i64} {
  func.func @sc_aggregate(%arg0: i32, %arg1: i32, %arg2: memref<10240x128xf32, #tpu.memory_space<hbm>>, %arg3: memref<32x80x128xi32, #tpu.memory_space<hbm>>, %arg4: memref<32x160x64xi32, #tpu.memory_space<hbm>>, %arg5: memref<640x128xf32, #tpu.memory_space<hbm>>, %arg6: memref<2x10240x128xf32, #tpu.memory_space<hbm>>, %arg7: memref<80x128xi32, #tpu.memory_space<vmem>>, %arg8: memref<160x64xi32, #tpu.memory_space<vmem>>, %arg9: memref<64x128xf32, #tpu.memory_space<vmem>>, %arg10: memref<64x128xf32, #tpu.memory_space<vmem>>, %arg11: memref<10240x128xf32, #tpu.memory_space<vmem_shared>>, %arg12: memref<!tpu.dma_semaphore, #tpu.memory_space<semaphore_mem>>, %arg13: memref<!tpu.dma_semaphore, #tpu.memory_space<semaphore_mem>>, %arg14: memref<!tpu.dma_semaphore, #tpu.memory_space<semaphore_mem>>, %arg15: memref<!tpu.dma_semaphore, #tpu.memory_space<semaphore_mem>>) attributes {dimension_semantics = [#tpu.dimension_semantics<core_parallel>, #tpu.dimension_semantics<subcore_parallel>], iteration_bounds = array<i64: 2, 16>, scalar_prefetch = 0 : i64, scratch_operands = 9 : i64, tpu.core_type = #tpu.core_type<sc_vector_subcore>, window_params = [{transform_indices = #map}, {transform_indices = #map1}, {transform_indices = #map1}, {transform_indices = #map}, {transform_indices = #map1}]} {
    %mul3A = arith.constant 16 : i32
    %mul3A_0 = arith.muli %arg0, %mul3A : i32
    %add3A = arith.addi %mul3A_0, %arg1 : i32
    %mul3A_1 = arith.constant 640 : i32
    %mul3A_2 = arith.muli %arg1, %mul3A_1 : i32
    "tpu.region"() ({
      %run_scoped3A = tpu.sem_alloc : memref<!tpu.dma_semaphore, #tpu.memory_space<semaphore_mem>>
      %dma_start3A_67 = arith.constant 0 : i32
      %dma_start3A_68 = tpu.memref_slice %arg11[%mul3A_2, %dma_start3A_67] : memref<10240x128xf32, #tpu.memory_space<vmem_shared>> -> memref<640x128xf32, #tpu.memory_space<vmem_shared>>
      tpu.enqueue_dma source(%arg5 : memref<640x128xf32, #tpu.memory_space<hbm>>) target(%dma_start3A_68 : memref<640x128xf32, #tpu.memory_space<vmem_shared>>) target_semaphore(%run_scoped3A : memref<!tpu.dma_semaphore, #tpu.memory_space<semaphore_mem>>)
      %dma_wait3A_69 = arith.constant 0 : i32
      %dma_wait3A_70 = tpu.memref_slice %arg11[%mul3A_2, %dma_wait3A_69] : memref<10240x128xf32, #tpu.memory_space<vmem_shared>> -> memref<640x128xf32, #tpu.memory_space<vmem_shared>>
      tpu.wait_dma2 semaphore(%run_scoped3A : memref<!tpu.dma_semaphore, #tpu.memory_space<semaphore_mem>>) src(%arg5 : memref<640x128xf32, #tpu.memory_space<hbm>>) dst(%dma_wait3A_70 : memref<640x128xf32, #tpu.memory_space<vmem_shared>>)
      tpu.yield
    }) : () -> ()
    "tpu.region"() ({
      %run_scoped3A = tpu.sem_alloc : memref<!tpu.dma_semaphore, #tpu.memory_space<semaphore_mem>>
      %dma_start3A_67 = arith.constant 0 : i32
      %dma_start3A_68 = arith.constant 0 : i32
      %dma_start3A_69 = tpu.memref_slice %arg3[%add3A, %dma_start3A_67, %dma_start3A_68] : memref<32x80x128xi32, #tpu.memory_space<hbm>> -> memref<1x80x128xi32, #tpu.memory_space<hbm>>
      %dma_start3A_70 = tpu.memref_squeeze %dma_start3A_69 : memref<1x80x128xi32, #tpu.memory_space<hbm>> -> memref<80x128xi32, #tpu.memory_space<hbm>>
      %dma_start3A_71 = arith.constant 0 : i32
      %dma_start3A_72 = arith.constant 0 : i32
      %dma_start3A_73 = tpu.memref_slice %arg3[%add3A, %dma_start3A_71, %dma_start3A_72] : memref<32x80x128xi32, #tpu.memory_space<hbm>> -> memref<1x80x128xi32, #tpu.memory_space<hbm>>
      %dma_start3A_74 = tpu.memref_squeeze %dma_start3A_73 : memref<1x80x128xi32, #tpu.memory_space<hbm>> -> memref<80x128xi32, #tpu.memory_space<hbm>>
      tpu.enqueue_dma source(%dma_start3A_74 : memref<80x128xi32, #tpu.memory_space<hbm>>) target(%arg7 : memref<80x128xi32, #tpu.memory_space<vmem>>) target_semaphore(%run_scoped3A : memref<!tpu.dma_semaphore, #tpu.memory_space<semaphore_mem>>)
      %dma_wait3A_75 = arith.constant 0 : i32
      %dma_wait3A_76 = arith.constant 0 : i32
      %dma_wait3A_77 = tpu.memref_slice %arg3[%add3A, %dma_wait3A_75, %dma_wait3A_76] : memref<32x80x128xi32, #tpu.memory_space<hbm>> -> memref<1x80x128xi32, #tpu.memory_space<hbm>>
      %dma_wait3A_78 = tpu.memref_squeeze %dma_wait3A_77 : memref<1x80x128xi32, #tpu.memory_space<hbm>> -> memref<80x128xi32, #tpu.memory_space<hbm>>
      %dma_wait3A_79 = arith.constant 0 : i32
      %dma_wait3A_80 = arith.constant 0 : i32
      %dma_wait3A_81 = tpu.memref_slice %arg3[%add3A, %dma_wait3A_79, %dma_wait3A_80] : memref<32x80x128xi32, #tpu.memory_space<hbm>> -> memref<1x80x128xi32, #tpu.memory_space<hbm>>
      %dma_wait3A_82 = tpu.memref_squeeze %dma_wait3A_81 : memref<1x80x128xi32, #tpu.memory_space<hbm>> -> memref<80x128xi32, #tpu.memory_space<hbm>>
      tpu.wait_dma2 semaphore(%run_scoped3A : memref<!tpu.dma_semaphore, #tpu.memory_space<semaphore_mem>>) src(%dma_wait3A_82 : memref<80x128xi32, #tpu.memory_space<hbm>>) dst(%arg7 : memref<80x128xi32, #tpu.memory_space<vmem>>)
      tpu.yield
    }) : () -> ()
    "tpu.region"() ({
      %run_scoped3A = tpu.sem_alloc : memref<!tpu.dma_semaphore, #tpu.memory_space<semaphore_mem>>
      %dma_start3A_67 = arith.constant 0 : i32
      %dma_start3A_68 = arith.constant 0 : i32
      %dma_start3A_69 = tpu.memref_slice %arg4[%add3A, %dma_start3A_67, %dma_start3A_68] : memref<32x160x64xi32, #tpu.memory_space<hbm>> -> memref<1x160x64xi32, #tpu.memory_space<hbm>>
      %dma_start3A_70 = tpu.memref_squeeze %dma_start3A_69 : memref<1x160x64xi32, #tpu.memory_space<hbm>> -> memref<160x64xi32, #tpu.memory_space<hbm>>
      %dma_start3A_71 = arith.constant 0 : i32
      %dma_start3A_72 = arith.constant 0 : i32
      %dma_start3A_73 = tpu.memref_slice %arg4[%add3A, %dma_start3A_71, %dma_start3A_72] : memref<32x160x64xi32, #tpu.memory_space<hbm>> -> memref<1x160x64xi32, #tpu.memory_space<hbm>>
      %dma_start3A_74 = tpu.memref_squeeze %dma_start3A_73 : memref<1x160x64xi32, #tpu.memory_space<hbm>> -> memref<160x64xi32, #tpu.memory_space<hbm>>
      tpu.enqueue_dma source(%dma_start3A_74 : memref<160x64xi32, #tpu.memory_space<hbm>>) target(%arg8 : memref<160x64xi32, #tpu.memory_space<vmem>>) target_semaphore(%run_scoped3A : memref<!tpu.dma_semaphore, #tpu.memory_space<semaphore_mem>>)
      %dma_wait3A_75 = arith.constant 0 : i32
      %dma_wait3A_76 = arith.constant 0 : i32
      %dma_wait3A_77 = tpu.memref_slice %arg4[%add3A, %dma_wait3A_75, %dma_wait3A_76] : memref<32x160x64xi32, #tpu.memory_space<hbm>> -> memref<1x160x64xi32, #tpu.memory_space<hbm>>
      %dma_wait3A_78 = tpu.memref_squeeze %dma_wait3A_77 : memref<1x160x64xi32, #tpu.memory_space<hbm>> -> memref<160x64xi32, #tpu.memory_space<hbm>>
      %dma_wait3A_79 = arith.constant 0 : i32
      %dma_wait3A_80 = arith.constant 0 : i32
      %dma_wait3A_81 = tpu.memref_slice %arg4[%add3A, %dma_wait3A_79, %dma_wait3A_80] : memref<32x160x64xi32, #tpu.memory_space<hbm>> -> memref<1x160x64xi32, #tpu.memory_space<hbm>>
      %dma_wait3A_82 = tpu.memref_squeeze %dma_wait3A_81 : memref<1x160x64xi32, #tpu.memory_space<hbm>> -> memref<160x64xi32, #tpu.memory_space<hbm>>
      tpu.wait_dma2 semaphore(%run_scoped3A : memref<!tpu.dma_semaphore, #tpu.memory_space<semaphore_mem>>) src(%dma_wait3A_82 : memref<160x64xi32, #tpu.memory_space<hbm>>) dst(%arg8 : memref<160x64xi32, #tpu.memory_space<vmem>>)
      tpu.yield
    }) : () -> ()
    %barrier3A = arith.constant 0 : index
    tpu.barrier barrier_id(%barrier3A)
    %dma_start3A = arith.constant 0 : i32
    %dma_start3A_3 = arith.constant 0 : i32
    %dma_start3A_4 = tpu.memref_slice %arg7[%dma_start3A, %dma_start3A_3] : memref<80x128xi32, #tpu.memory_space<vmem>> -> memref<1x64xi32, #tpu.memory_space<vmem>>
    %dma_start3A_5 = tpu.memref_squeeze %dma_start3A_4 : memref<1x64xi32, #tpu.memory_space<vmem>> -> memref<64xi32, #tpu.memory_space<vmem>>
    %dma_start3A_6 = arith.constant 0 : i32
    %dma_start3A_7 = arith.constant 0 : i32
    %dma_start3A_8 = tpu.memref_slice %arg2[%dma_start3A_6, %dma_start3A_7] : memref<10240x128xf32, #tpu.memory_space<hbm>> -> memref<10240x128xf32, #tpu.memory_space<hbm>>
    tpu.enqueue_indirect_dma source(%dma_start3A_8 : memref<10240x128xf32, #tpu.memory_space<hbm>>) target(%arg9 : memref<64x128xf32, #tpu.memory_space<vmem>>) offsets(%dma_start3A_5 : memref<64xi32, #tpu.memory_space<vmem>>) semaphore(%arg12 : memref<!tpu.dma_semaphore, #tpu.memory_space<semaphore_mem>>)
    %dma_wait3A = arith.constant 0 : i32
    %dma_wait3A_9 = arith.constant 0 : i32
    %dma_wait3A_10 = tpu.memref_slice %arg7[%dma_wait3A, %dma_wait3A_9] : memref<80x128xi32, #tpu.memory_space<vmem>> -> memref<1x64xi32, #tpu.memory_space<vmem>>
    %dma_wait3A_11 = tpu.memref_squeeze %dma_wait3A_10 : memref<1x64xi32, #tpu.memory_space<vmem>> -> memref<64xi32, #tpu.memory_space<vmem>>
    %dma_wait3A_12 = arith.constant 0 : i32
    %dma_wait3A_13 = arith.constant 0 : i32
    %dma_wait3A_14 = tpu.memref_slice %arg2[%dma_wait3A_12, %dma_wait3A_13] : memref<10240x128xf32, #tpu.memory_space<hbm>> -> memref<10240x128xf32, #tpu.memory_space<hbm>>
    tpu.wait_indirect_dma semaphore(%arg12 : memref<!tpu.dma_semaphore, #tpu.memory_space<semaphore_mem>>) src(%dma_wait3A_14 : memref<10240x128xf32, #tpu.memory_space<hbm>>) dst(%arg9 : memref<64x128xf32, #tpu.memory_space<vmem>>)
    %dma_start3A_15 = arith.constant 0 : i32
    %dma_start3A_16 = arith.constant 64 : i32
    %dma_start3A_17 = tpu.memref_slice %arg7[%dma_start3A_15, %dma_start3A_16] : memref<80x128xi32, #tpu.memory_space<vmem>> -> memref<1x64xi32, #tpu.memory_space<vmem>>
    %dma_start3A_18 = tpu.memref_squeeze %dma_start3A_17 : memref<1x64xi32, #tpu.memory_space<vmem>> -> memref<64xi32, #tpu.memory_space<vmem>>
    %dma_start3A_19 = arith.constant 0 : i32
    %dma_start3A_20 = arith.constant 0 : i32
    %dma_start3A_21 = tpu.memref_slice %arg2[%dma_start3A_19, %dma_start3A_20] : memref<10240x128xf32, #tpu.memory_space<hbm>> -> memref<10240x128xf32, #tpu.memory_space<hbm>>
    tpu.enqueue_indirect_dma source(%dma_start3A_21 : memref<10240x128xf32, #tpu.memory_space<hbm>>) target(%arg10 : memref<64x128xf32, #tpu.memory_space<vmem>>) offsets(%dma_start3A_18 : memref<64xi32, #tpu.memory_space<vmem>>) semaphore(%arg13 : memref<!tpu.dma_semaphore, #tpu.memory_space<semaphore_mem>>)
    %dma_start3A_22 = arith.constant 0 : i32
    %dma_start3A_23 = arith.constant 0 : i32
    %dma_start3A_24 = tpu.memref_slice %arg8[%dma_start3A_22, %dma_start3A_23] : memref<160x64xi32, #tpu.memory_space<vmem>> -> memref<1x64xi32, #tpu.memory_space<vmem>>
    %dma_start3A_25 = tpu.memref_squeeze %dma_start3A_24 : memref<1x64xi32, #tpu.memory_space<vmem>> -> memref<64xi32, #tpu.memory_space<vmem>>
    %dma_start3A_26 = arith.constant 0 : i32
    %dma_start3A_27 = arith.constant 0 : i32
    %dma_start3A_28 = tpu.memref_slice %arg11[%dma_start3A_26, %dma_start3A_27] : memref<10240x128xf32, #tpu.memory_space<vmem_shared>> -> memref<10240x128xf32, #tpu.memory_space<vmem_shared>>
    tpu.enqueue_indirect_dma source(%arg9 : memref<64x128xf32, #tpu.memory_space<vmem>>) target(%dma_start3A_28 : memref<10240x128xf32, #tpu.memory_space<vmem_shared>>) offsets(%dma_start3A_25 : memref<64xi32, #tpu.memory_space<vmem>>) semaphore(%arg14 : memref<!tpu.dma_semaphore, #tpu.memory_space<semaphore_mem>>) {add = true}
    %scan3A = arith.constant 0 : i32
    %scan3A_29 = arith.constant 0 : i32
    %scan3A_30 = arith.constant 79 : i32
    %scan3A_31 = arith.addi %scan3A_29, %scan3A_30 : i32
    %scan3A_32 = arith.constant 1 : i32
    scf.for %scan3A_67 = %scan3A_29 to %scan3A_31 step %scan3A_32  : i32 {
      %mul3A_68 = arith.constant 2 : i32
      %mul3A_69 = arith.muli %mul3A_68, %scan3A_67 : i32
      %mul3A_70 = arith.constant 2 : i32
      %mul3A_71 = arith.muli %mul3A_70, %scan3A_67 : i32
      %add3A_72 = arith.constant 1 : i32
      %add3A_73 = arith.addi %mul3A_71, %add3A_72 : i32
      %dma_wait3A_74 = arith.constant 64 : i32
      %dma_wait3A_75 = tpu.memref_slice %arg7[%scan3A_67, %dma_wait3A_74] : memref<80x128xi32, #tpu.memory_space<vmem>> -> memref<1x64xi32, #tpu.memory_space<vmem>>
      %dma_wait3A_76 = tpu.memref_squeeze %dma_wait3A_75 : memref<1x64xi32, #tpu.memory_space<vmem>> -> memref<64xi32, #tpu.memory_space<vmem>>
      %dma_wait3A_77 = arith.constant 0 : i32
      %dma_wait3A_78 = arith.constant 0 : i32
      %dma_wait3A_79 = tpu.memref_slice %arg2[%dma_wait3A_77, %dma_wait3A_78] : memref<10240x128xf32, #tpu.memory_space<hbm>> -> memref<10240x128xf32, #tpu.memory_space<hbm>>
      tpu.wait_indirect_dma semaphore(%arg13 : memref<!tpu.dma_semaphore, #tpu.memory_space<semaphore_mem>>) src(%dma_wait3A_79 : memref<10240x128xf32, #tpu.memory_space<hbm>>) dst(%arg10 : memref<64x128xf32, #tpu.memory_space<vmem>>)
      %dma_wait3A_80 = arith.constant 0 : i32
      %dma_wait3A_81 = tpu.memref_slice %arg8[%mul3A_69, %dma_wait3A_80] : memref<160x64xi32, #tpu.memory_space<vmem>> -> memref<1x64xi32, #tpu.memory_space<vmem>>
      %dma_wait3A_82 = tpu.memref_squeeze %dma_wait3A_81 : memref<1x64xi32, #tpu.memory_space<vmem>> -> memref<64xi32, #tpu.memory_space<vmem>>
      %dma_wait3A_83 = arith.constant 0 : i32
      %dma_wait3A_84 = arith.constant 0 : i32
      %dma_wait3A_85 = tpu.memref_slice %arg11[%dma_wait3A_83, %dma_wait3A_84] : memref<10240x128xf32, #tpu.memory_space<vmem_shared>> -> memref<10240x128xf32, #tpu.memory_space<vmem_shared>>
      tpu.wait_indirect_dma semaphore(%arg14 : memref<!tpu.dma_semaphore, #tpu.memory_space<semaphore_mem>>) src(%arg9 : memref<64x128xf32, #tpu.memory_space<vmem>>) dst(%dma_wait3A_85 : memref<10240x128xf32, #tpu.memory_space<vmem_shared>>)
      %add3A_86 = arith.constant 1 : i32
      %add3A_87 = arith.addi %scan3A_67, %add3A_86 : i32
      %dma_start3A_88 = arith.constant 0 : i32
      %dma_start3A_89 = tpu.memref_slice %arg7[%add3A_87, %dma_start3A_88] : memref<80x128xi32, #tpu.memory_space<vmem>> -> memref<1x64xi32, #tpu.memory_space<vmem>>
      %dma_start3A_90 = tpu.memref_squeeze %dma_start3A_89 : memref<1x64xi32, #tpu.memory_space<vmem>> -> memref<64xi32, #tpu.memory_space<vmem>>
      %dma_start3A_91 = arith.constant 0 : i32
      %dma_start3A_92 = arith.constant 0 : i32
      %dma_start3A_93 = tpu.memref_slice %arg2[%dma_start3A_91, %dma_start3A_92] : memref<10240x128xf32, #tpu.memory_space<hbm>> -> memref<10240x128xf32, #tpu.memory_space<hbm>>
      tpu.enqueue_indirect_dma source(%dma_start3A_93 : memref<10240x128xf32, #tpu.memory_space<hbm>>) target(%arg9 : memref<64x128xf32, #tpu.memory_space<vmem>>) offsets(%dma_start3A_90 : memref<64xi32, #tpu.memory_space<vmem>>) semaphore(%arg12 : memref<!tpu.dma_semaphore, #tpu.memory_space<semaphore_mem>>)
      %dma_start3A_94 = arith.constant 0 : i32
      %dma_start3A_95 = tpu.memref_slice %arg8[%add3A_73, %dma_start3A_94] : memref<160x64xi32, #tpu.memory_space<vmem>> -> memref<1x64xi32, #tpu.memory_space<vmem>>
      %dma_start3A_96 = tpu.memref_squeeze %dma_start3A_95 : memref<1x64xi32, #tpu.memory_space<vmem>> -> memref<64xi32, #tpu.memory_space<vmem>>
      %dma_start3A_97 = arith.constant 0 : i32
      %dma_start3A_98 = arith.constant 0 : i32
      %dma_start3A_99 = tpu.memref_slice %arg11[%dma_start3A_97, %dma_start3A_98] : memref<10240x128xf32, #tpu.memory_space<vmem_shared>> -> memref<10240x128xf32, #tpu.memory_space<vmem_shared>>
      tpu.enqueue_indirect_dma source(%arg10 : memref<64x128xf32, #tpu.memory_space<vmem>>) target(%dma_start3A_99 : memref<10240x128xf32, #tpu.memory_space<vmem_shared>>) offsets(%dma_start3A_96 : memref<64xi32, #tpu.memory_space<vmem>>) semaphore(%arg15 : memref<!tpu.dma_semaphore, #tpu.memory_space<semaphore_mem>>) {add = true}
      %add3A_100 = arith.constant 1 : i32
      %add3A_101 = arith.addi %scan3A_67, %add3A_100 : i32
      %dma_wait3A_102 = arith.constant 0 : i32
      %dma_wait3A_103 = tpu.memref_slice %arg7[%add3A_101, %dma_wait3A_102] : memref<80x128xi32, #tpu.memory_space<vmem>> -> memref<1x64xi32, #tpu.memory_space<vmem>>
      %dma_wait3A_104 = tpu.memref_squeeze %dma_wait3A_103 : memref<1x64xi32, #tpu.memory_space<vmem>> -> memref<64xi32, #tpu.memory_space<vmem>>
      %dma_wait3A_105 = arith.constant 0 : i32
      %dma_wait3A_106 = arith.constant 0 : i32
      %dma_wait3A_107 = tpu.memref_slice %arg2[%dma_wait3A_105, %dma_wait3A_106] : memref<10240x128xf32, #tpu.memory_space<hbm>> -> memref<10240x128xf32, #tpu.memory_space<hbm>>
      tpu.wait_indirect_dma semaphore(%arg12 : memref<!tpu.dma_semaphore, #tpu.memory_space<semaphore_mem>>) src(%dma_wait3A_107 : memref<10240x128xf32, #tpu.memory_space<hbm>>) dst(%arg9 : memref<64x128xf32, #tpu.memory_space<vmem>>)
      %dma_wait3A_108 = arith.constant 0 : i32
      %dma_wait3A_109 = tpu.memref_slice %arg8[%add3A_73, %dma_wait3A_108] : memref<160x64xi32, #tpu.memory_space<vmem>> -> memref<1x64xi32, #tpu.memory_space<vmem>>
      %dma_wait3A_110 = tpu.memref_squeeze %dma_wait3A_109 : memref<1x64xi32, #tpu.memory_space<vmem>> -> memref<64xi32, #tpu.memory_space<vmem>>
      %dma_wait3A_111 = arith.constant 0 : i32
      %dma_wait3A_112 = arith.constant 0 : i32
      %dma_wait3A_113 = tpu.memref_slice %arg11[%dma_wait3A_111, %dma_wait3A_112] : memref<10240x128xf32, #tpu.memory_space<vmem_shared>> -> memref<10240x128xf32, #tpu.memory_space<vmem_shared>>
      tpu.wait_indirect_dma semaphore(%arg15 : memref<!tpu.dma_semaphore, #tpu.memory_space<semaphore_mem>>) src(%arg10 : memref<64x128xf32, #tpu.memory_space<vmem>>) dst(%dma_wait3A_113 : memref<10240x128xf32, #tpu.memory_space<vmem_shared>>)
      %add3A_114 = arith.constant 1 : i32
      %add3A_115 = arith.addi %scan3A_67, %add3A_114 : i32
      %dma_start3A_116 = arith.constant 64 : i32
      %dma_start3A_117 = tpu.memref_slice %arg7[%add3A_115, %dma_start3A_116] : memref<80x128xi32, #tpu.memory_space<vmem>> -> memref<1x64xi32, #tpu.memory_space<vmem>>
      %dma_start3A_118 = tpu.memref_squeeze %dma_start3A_117 : memref<1x64xi32, #tpu.memory_space<vmem>> -> memref<64xi32, #tpu.memory_space<vmem>>
      %dma_start3A_119 = arith.constant 0 : i32
      %dma_start3A_120 = arith.constant 0 : i32
      %dma_start3A_121 = tpu.memref_slice %arg2[%dma_start3A_119, %dma_start3A_120] : memref<10240x128xf32, #tpu.memory_space<hbm>> -> memref<10240x128xf32, #tpu.memory_space<hbm>>
      tpu.enqueue_indirect_dma source(%dma_start3A_121 : memref<10240x128xf32, #tpu.memory_space<hbm>>) target(%arg10 : memref<64x128xf32, #tpu.memory_space<vmem>>) offsets(%dma_start3A_118 : memref<64xi32, #tpu.memory_space<vmem>>) semaphore(%arg13 : memref<!tpu.dma_semaphore, #tpu.memory_space<semaphore_mem>>)
      %add3A_122 = arith.constant 1 : i32
      %add3A_123 = arith.addi %add3A_73, %add3A_122 : i32
      %dma_start3A_124 = arith.constant 0 : i32
      %dma_start3A_125 = tpu.memref_slice %arg8[%add3A_123, %dma_start3A_124] : memref<160x64xi32, #tpu.memory_space<vmem>> -> memref<1x64xi32, #tpu.memory_space<vmem>>
      %dma_start3A_126 = tpu.memref_squeeze %dma_start3A_125 : memref<1x64xi32, #tpu.memory_space<vmem>> -> memref<64xi32, #tpu.memory_space<vmem>>
      %dma_start3A_127 = arith.constant 0 : i32
      %dma_start3A_128 = arith.constant 0 : i32
      %dma_start3A_129 = tpu.memref_slice %arg11[%dma_start3A_127, %dma_start3A_128] : memref<10240x128xf32, #tpu.memory_space<vmem_shared>> -> memref<10240x128xf32, #tpu.memory_space<vmem_shared>>
      tpu.enqueue_indirect_dma source(%arg9 : memref<64x128xf32, #tpu.memory_space<vmem>>) target(%dma_start3A_129 : memref<10240x128xf32, #tpu.memory_space<vmem_shared>>) offsets(%dma_start3A_126 : memref<64xi32, #tpu.memory_space<vmem>>) semaphore(%arg14 : memref<!tpu.dma_semaphore, #tpu.memory_space<semaphore_mem>>) {add = true}
    }
    %scan3A_33 = arith.constant 79 : i32
    %dma_wait3A_34 = arith.constant 79 : i32
    %dma_wait3A_35 = arith.constant 64 : i32
    %dma_wait3A_36 = tpu.memref_slice %arg7[%dma_wait3A_34, %dma_wait3A_35] : memref<80x128xi32, #tpu.memory_space<vmem>> -> memref<1x64xi32, #tpu.memory_space<vmem>>
    %dma_wait3A_37 = tpu.memref_squeeze %dma_wait3A_36 : memref<1x64xi32, #tpu.memory_space<vmem>> -> memref<64xi32, #tpu.memory_space<vmem>>
    %dma_wait3A_38 = arith.constant 0 : i32
    %dma_wait3A_39 = arith.constant 0 : i32
    %dma_wait3A_40 = tpu.memref_slice %arg2[%dma_wait3A_38, %dma_wait3A_39] : memref<10240x128xf32, #tpu.memory_space<hbm>> -> memref<10240x128xf32, #tpu.memory_space<hbm>>
    tpu.wait_indirect_dma semaphore(%arg13 : memref<!tpu.dma_semaphore, #tpu.memory_space<semaphore_mem>>) src(%dma_wait3A_40 : memref<10240x128xf32, #tpu.memory_space<hbm>>) dst(%arg10 : memref<64x128xf32, #tpu.memory_space<vmem>>)
    %dma_wait3A_41 = arith.constant 158 : i32
    %dma_wait3A_42 = arith.constant 0 : i32
    %dma_wait3A_43 = tpu.memref_slice %arg8[%dma_wait3A_41, %dma_wait3A_42] : memref<160x64xi32, #tpu.memory_space<vmem>> -> memref<1x64xi32, #tpu.memory_space<vmem>>
    %dma_wait3A_44 = tpu.memref_squeeze %dma_wait3A_43 : memref<1x64xi32, #tpu.memory_space<vmem>> -> memref<64xi32, #tpu.memory_space<vmem>>
    %dma_wait3A_45 = arith.constant 0 : i32
    %dma_wait3A_46 = arith.constant 0 : i32
    %dma_wait3A_47 = tpu.memref_slice %arg11[%dma_wait3A_45, %dma_wait3A_46] : memref<10240x128xf32, #tpu.memory_space<vmem_shared>> -> memref<10240x128xf32, #tpu.memory_space<vmem_shared>>
    tpu.wait_indirect_dma semaphore(%arg14 : memref<!tpu.dma_semaphore, #tpu.memory_space<semaphore_mem>>) src(%arg9 : memref<64x128xf32, #tpu.memory_space<vmem>>) dst(%dma_wait3A_47 : memref<10240x128xf32, #tpu.memory_space<vmem_shared>>)
    %dma_start3A_48 = arith.constant 159 : i32
    %dma_start3A_49 = arith.constant 0 : i32
    %dma_start3A_50 = tpu.memref_slice %arg8[%dma_start3A_48, %dma_start3A_49] : memref<160x64xi32, #tpu.memory_space<vmem>> -> memref<1x64xi32, #tpu.memory_space<vmem>>
    %dma_start3A_51 = tpu.memref_squeeze %dma_start3A_50 : memref<1x64xi32, #tpu.memory_space<vmem>> -> memref<64xi32, #tpu.memory_space<vmem>>
    %dma_start3A_52 = arith.constant 0 : i32
    %dma_start3A_53 = arith.constant 0 : i32
    %dma_start3A_54 = tpu.memref_slice %arg11[%dma_start3A_52, %dma_start3A_53] : memref<10240x128xf32, #tpu.memory_space<vmem_shared>> -> memref<10240x128xf32, #tpu.memory_space<vmem_shared>>
    tpu.enqueue_indirect_dma source(%arg10 : memref<64x128xf32, #tpu.memory_space<vmem>>) target(%dma_start3A_54 : memref<10240x128xf32, #tpu.memory_space<vmem_shared>>) offsets(%dma_start3A_51 : memref<64xi32, #tpu.memory_space<vmem>>) semaphore(%arg15 : memref<!tpu.dma_semaphore, #tpu.memory_space<semaphore_mem>>) {add = true}
    %dma_wait3A_55 = arith.constant 159 : i32
    %dma_wait3A_56 = arith.constant 0 : i32
    %dma_wait3A_57 = tpu.memref_slice %arg8[%dma_wait3A_55, %dma_wait3A_56] : memref<160x64xi32, #tpu.memory_space<vmem>> -> memref<1x64xi32, #tpu.memory_space<vmem>>
    %dma_wait3A_58 = tpu.memref_squeeze %dma_wait3A_57 : memref<1x64xi32, #tpu.memory_space<vmem>> -> memref<64xi32, #tpu.memory_space<vmem>>
    %dma_wait3A_59 = arith.constant 0 : i32
    %dma_wait3A_60 = arith.constant 0 : i32
    %dma_wait3A_61 = tpu.memref_slice %arg11[%dma_wait3A_59, %dma_wait3A_60] : memref<10240x128xf32, #tpu.memory_space<vmem_shared>> -> memref<10240x128xf32, #tpu.memory_space<vmem_shared>>
    tpu.wait_indirect_dma semaphore(%arg15 : memref<!tpu.dma_semaphore, #tpu.memory_space<semaphore_mem>>) src(%arg10 : memref<64x128xf32, #tpu.memory_space<vmem>>) dst(%dma_wait3A_61 : memref<10240x128xf32, #tpu.memory_space<vmem_shared>>)
    %barrier3A_62 = arith.constant 0 : index
    tpu.barrier barrier_id(%barrier3A_62)
    %mul3A_63 = arith.constant 640 : i32
    %mul3A_64 = arith.muli %arg1, %mul3A_63 : i32
    %mul3A_65 = arith.constant 640 : i32
    %mul3A_66 = arith.muli %arg1, %mul3A_65 : i32
    "tpu.region"() ({
      %run_scoped3A = tpu.sem_alloc : memref<!tpu.dma_semaphore, #tpu.memory_space<semaphore_mem>>
      %dma_start3A_67 = arith.constant 0 : i32
      %dma_start3A_68 = tpu.memref_slice %arg6[%arg0, %mul3A_66, %dma_start3A_67] : memref<2x10240x128xf32, #tpu.memory_space<hbm>> -> memref<1x640x128xf32, #tpu.memory_space<hbm>>
      %dma_start3A_69 = tpu.memref_squeeze %dma_start3A_68 : memref<1x640x128xf32, #tpu.memory_space<hbm>> -> memref<640x128xf32, #tpu.memory_space<hbm>>
      %dma_start3A_70 = arith.constant 0 : i32
      %dma_start3A_71 = tpu.memref_slice %arg11[%mul3A_64, %dma_start3A_70] : memref<10240x128xf32, #tpu.memory_space<vmem_shared>> -> memref<640x128xf32, #tpu.memory_space<vmem_shared>>
      tpu.enqueue_dma source(%dma_start3A_71 : memref<640x128xf32, #tpu.memory_space<vmem_shared>>) target(%dma_start3A_69 : memref<640x128xf32, #tpu.memory_space<hbm>>) target_semaphore(%run_scoped3A : memref<!tpu.dma_semaphore, #tpu.memory_space<semaphore_mem>>)
      %dma_wait3A_72 = arith.constant 0 : i32
      %dma_wait3A_73 = tpu.memref_slice %arg6[%arg0, %mul3A_66, %dma_wait3A_72] : memref<2x10240x128xf32, #tpu.memory_space<hbm>> -> memref<1x640x128xf32, #tpu.memory_space<hbm>>
      %dma_wait3A_74 = tpu.memref_squeeze %dma_wait3A_73 : memref<1x640x128xf32, #tpu.memory_space<hbm>> -> memref<640x128xf32, #tpu.memory_space<hbm>>
      %dma_wait3A_75 = arith.constant 0 : i32
      %dma_wait3A_76 = tpu.memref_slice %arg11[%mul3A_64, %dma_wait3A_75] : memref<10240x128xf32, #tpu.memory_space<vmem_shared>> -> memref<640x128xf32, #tpu.memory_space<vmem_shared>>
      tpu.wait_dma2 semaphore(%run_scoped3A : memref<!tpu.dma_semaphore, #tpu.memory_space<semaphore_mem>>) src(%dma_wait3A_76 : memref<640x128xf32, #tpu.memory_space<vmem_shared>>) dst(%dma_wait3A_74 : memref<640x128xf32, #tpu.memory_space<hbm>>)
      tpu.yield
    }) : () -> ()
    return
  }
}

module attributes {stable_mosaic.version = 14 : i64} {
  func.func @_tc_layer1_body(%arg0: i32, %arg1: memref<1024x128xf32, #tpu.memory_space<vmem>>, %arg2: memref<128x128xf32, #tpu.memory_space<vmem>>, %arg3: memref<32x1024xf32, #tpu.memory_space<vmem>>, %arg4: memref<1024x128xf32, #tpu.memory_space<vmem>>, %arg5: memref<1x1x1024xf32, #tpu.memory_space<vmem>>) attributes {dimension_semantics = [#tpu.dimension_semantics<arbitrary>], iteration_bounds = array<i64: 10>, scalar_prefetch = 0 : i64, scratch_operands = 0 : i64, tpu.core_type = #tpu.core_type<tc>, window_params = [{transform_indices = @transform_0, window_bounds = array<i64: 1024, 128>}, {pipeline_mode = #tpu.pipeline_mode<synchronous>, transform_indices = @transform_1, window_bounds = array<i64: 128, 128>}, {transform_indices = @transform_2, window_bounds = array<i64: 32, 1024>}, {transform_indices = @transform_3, window_bounds = array<i64: 1024, 128>}, {transform_indices = @transform_4, window_bounds = array<i64: 1, 1, 1024>}]} {
    %get3A = arith.constant 0 : index
    %get3A_0 = arith.constant 0 : index
    %get3A_1 = vector.load %arg3[%get3A, %get3A_0] : memref<32x1024xf32, #tpu.memory_space<vmem>>, vector<32x1024xf32>
    %reduce_sum3A = arith.constant dense<0.000000e+00> : vector<1024xf32>
    %reduce_sum3A_2 = vector.multi_reduction <add>, %get3A_1, %reduce_sum3A [0] : vector<32x1024xf32> to vector<1024xf32>
    %broadcast_in_dim3A = vector.shape_cast %reduce_sum3A_2 : vector<1024xf32> to vector<1x1024xf32>
    %add3A = arith.constant 1.000000e+00 : f32
    %add3A_3 = vector.broadcast %add3A : f32 to vector<1x1024xf32>
    %add3A_4 = arith.addf %broadcast_in_dim3A, %add3A_3 : vector<1x1024xf32>
    %rsqrt3A = math.rsqrt %add3A_4 : vector<1x1024xf32>
    %broadcast_in_dim3A_5 = vector.shape_cast %rsqrt3A : vector<1x1024xf32> to vector<1x1x1024xf32>
    %swap3A = arith.constant 0 : index
    %swap3A_6 = arith.constant 0 : index
    %swap3A_7 = arith.constant 0 : index
    %swap3A_8 = vector.load %arg5[%swap3A, %swap3A_6, %swap3A_7] : memref<1x1x1024xf32, #tpu.memory_space<vmem>>, vector<1x1x1024xf32>
    tpu.vector_store %arg5[%swap3A, %swap3A_6, %swap3A_7], %broadcast_in_dim3A_5 {strides = array<i32>} : memref<1x1x1024xf32, #tpu.memory_space<vmem>>, vector<1x1x1024xf32>,
    %get3A_9 = arith.constant 0 : index
    %get3A_10 = arith.constant 0 : index
    %get3A_11 = vector.load %arg1[%get3A_9, %get3A_10] : memref<1024x128xf32, #tpu.memory_space<vmem>>, vector<1024x128xf32>
    %get3A_12 = arith.constant 0 : index
    %get3A_13 = arith.constant 0 : index
    %get3A_14 = vector.load %arg2[%get3A_12, %get3A_13] : memref<128x128xf32, #tpu.memory_space<vmem>>, vector<128x128xf32>
    %dot_general3A = arith.constant dense<0.000000e+00> : vector<1024x128xf32>
    %dot_general3A_15 = tpu.matmul %get3A_11, %get3A_14, %dot_general3A {dimension_numbers = #tpu.dot_dimension_numbers<[1], [0], [0], [1], [0, 0, 1, 1], [], []>, transpose_lhs_hint = false} : vector<1024x128xf32>, vector<128x128xf32>, vector<1024x128xf32> -> vector<1024x128xf32>
    %slice3A = vector.extract_strided_slice %rsqrt3A {offsets = [0, 0], sizes = [1, 128], strides = [1, 1]} : vector<1x1024xf32> to vector<1x128xf32>
    %iota3A = tpu.iota {dimensions = array<i32: 0>} : vector<128x128xi32>
    %iota3A_16 = tpu.iota {dimensions = array<i32: 1>} : vector<128x128xi32>
    %eq3A = arith.cmpi eq, %iota3A, %iota3A_16 : vector<128x128xi32>
    %broadcast_in_dim3A_17 = vector.shape_cast %slice3A : vector<1x128xf32> to vector<1x128xf32>
    %broadcast_in_dim3A_18 = vector.broadcast %broadcast_in_dim3A_17 : vector<1x128xf32> to vector<128x128xf32>
    %jit3A = arith.constant 0.000000e+00 : f32
    %broadcast_in_dim3A_19 = vector.broadcast %jit3A : f32 to vector<128x128xf32>
    %select_n3A = arith.select %eq3A, %broadcast_in_dim3A_18, %broadcast_in_dim3A_19 : vector<128x128xi1>, vector<128x128xf32>
    %reduce_sum3A_20 = arith.constant dense<0.000000e+00> : vector<128xf32>
    %reduce_sum3A_21 = vector.multi_reduction <add>, %select_n3A, %reduce_sum3A_20 [1] : vector<128x128xf32> to vector<128xf32>
    %broadcast_in_dim3A_22 = vector.shape_cast %reduce_sum3A_21 : vector<128xf32> to vector<128x1xf32>
    %slice3A_23 = vector.extract_strided_slice %rsqrt3A {offsets = [0, 128], sizes = [1, 128], strides = [1, 1]} : vector<1x1024xf32> to vector<1x128xf32>
    %iota3A_24 = tpu.iota {dimensions = array<i32: 0>} : vector<128x128xi32>
    %iota3A_25 = tpu.iota {dimensions = array<i32: 1>} : vector<128x128xi32>
    %eq3A_26 = arith.cmpi eq, %iota3A_24, %iota3A_25 : vector<128x128xi32>
    %broadcast_in_dim3A_27 = vector.shape_cast %slice3A_23 : vector<1x128xf32> to vector<1x128xf32>
    %broadcast_in_dim3A_28 = vector.broadcast %broadcast_in_dim3A_27 : vector<1x128xf32> to vector<128x128xf32>
    %jit3A_29 = arith.constant 0.000000e+00 : f32
    %broadcast_in_dim3A_30 = vector.broadcast %jit3A_29 : f32 to vector<128x128xf32>
    %select_n3A_31 = arith.select %eq3A_26, %broadcast_in_dim3A_28, %broadcast_in_dim3A_30 : vector<128x128xi1>, vector<128x128xf32>
    %reduce_sum3A_32 = arith.constant dense<0.000000e+00> : vector<128xf32>
    %reduce_sum3A_33 = vector.multi_reduction <add>, %select_n3A_31, %reduce_sum3A_32 [1] : vector<128x128xf32> to vector<128xf32>
    %broadcast_in_dim3A_34 = vector.shape_cast %reduce_sum3A_33 : vector<128xf32> to vector<128x1xf32>
    %slice3A_35 = vector.extract_strided_slice %rsqrt3A {offsets = [0, 256], sizes = [1, 128], strides = [1, 1]} : vector<1x1024xf32> to vector<1x128xf32>
    %iota3A_36 = tpu.iota {dimensions = array<i32: 0>} : vector<128x128xi32>
    %iota3A_37 = tpu.iota {dimensions = array<i32: 1>} : vector<128x128xi32>
    %eq3A_38 = arith.cmpi eq, %iota3A_36, %iota3A_37 : vector<128x128xi32>
    %broadcast_in_dim3A_39 = vector.shape_cast %slice3A_35 : vector<1x128xf32> to vector<1x128xf32>
    %broadcast_in_dim3A_40 = vector.broadcast %broadcast_in_dim3A_39 : vector<1x128xf32> to vector<128x128xf32>
    %jit3A_41 = arith.constant 0.000000e+00 : f32
    %broadcast_in_dim3A_42 = vector.broadcast %jit3A_41 : f32 to vector<128x128xf32>
    %select_n3A_43 = arith.select %eq3A_38, %broadcast_in_dim3A_40, %broadcast_in_dim3A_42 : vector<128x128xi1>, vector<128x128xf32>
    %reduce_sum3A_44 = arith.constant dense<0.000000e+00> : vector<128xf32>
    %reduce_sum3A_45 = vector.multi_reduction <add>, %select_n3A_43, %reduce_sum3A_44 [1] : vector<128x128xf32> to vector<128xf32>
    %broadcast_in_dim3A_46 = vector.shape_cast %reduce_sum3A_45 : vector<128xf32> to vector<128x1xf32>
    %slice3A_47 = vector.extract_strided_slice %rsqrt3A {offsets = [0, 384], sizes = [1, 128], strides = [1, 1]} : vector<1x1024xf32> to vector<1x128xf32>
    %iota3A_48 = tpu.iota {dimensions = array<i32: 0>} : vector<128x128xi32>
    %iota3A_49 = tpu.iota {dimensions = array<i32: 1>} : vector<128x128xi32>
    %eq3A_50 = arith.cmpi eq, %iota3A_48, %iota3A_49 : vector<128x128xi32>
    %broadcast_in_dim3A_51 = vector.shape_cast %slice3A_47 : vector<1x128xf32> to vector<1x128xf32>
    %broadcast_in_dim3A_52 = vector.broadcast %broadcast_in_dim3A_51 : vector<1x128xf32> to vector<128x128xf32>
    %jit3A_53 = arith.constant 0.000000e+00 : f32
    %broadcast_in_dim3A_54 = vector.broadcast %jit3A_53 : f32 to vector<128x128xf32>
    %select_n3A_55 = arith.select %eq3A_50, %broadcast_in_dim3A_52, %broadcast_in_dim3A_54 : vector<128x128xi1>, vector<128x128xf32>
    %reduce_sum3A_56 = arith.constant dense<0.000000e+00> : vector<128xf32>
    %reduce_sum3A_57 = vector.multi_reduction <add>, %select_n3A_55, %reduce_sum3A_56 [1] : vector<128x128xf32> to vector<128xf32>
    %broadcast_in_dim3A_58 = vector.shape_cast %reduce_sum3A_57 : vector<128xf32> to vector<128x1xf32>
    %slice3A_59 = vector.extract_strided_slice %rsqrt3A {offsets = [0, 512], sizes = [1, 128], strides = [1, 1]} : vector<1x1024xf32> to vector<1x128xf32>
    %iota3A_60 = tpu.iota {dimensions = array<i32: 0>} : vector<128x128xi32>
    %iota3A_61 = tpu.iota {dimensions = array<i32: 1>} : vector<128x128xi32>
    %eq3A_62 = arith.cmpi eq, %iota3A_60, %iota3A_61 : vector<128x128xi32>
    %broadcast_in_dim3A_63 = vector.shape_cast %slice3A_59 : vector<1x128xf32> to vector<1x128xf32>
    %broadcast_in_dim3A_64 = vector.broadcast %broadcast_in_dim3A_63 : vector<1x128xf32> to vector<128x128xf32>
    %jit3A_65 = arith.constant 0.000000e+00 : f32
    %broadcast_in_dim3A_66 = vector.broadcast %jit3A_65 : f32 to vector<128x128xf32>
    %select_n3A_67 = arith.select %eq3A_62, %broadcast_in_dim3A_64, %broadcast_in_dim3A_66 : vector<128x128xi1>, vector<128x128xf32>
    %reduce_sum3A_68 = arith.constant dense<0.000000e+00> : vector<128xf32>
    %reduce_sum3A_69 = vector.multi_reduction <add>, %select_n3A_67, %reduce_sum3A_68 [1] : vector<128x128xf32> to vector<128xf32>
    %broadcast_in_dim3A_70 = vector.shape_cast %reduce_sum3A_69 : vector<128xf32> to vector<128x1xf32>
    %slice3A_71 = vector.extract_strided_slice %rsqrt3A {offsets = [0, 640], sizes = [1, 128], strides = [1, 1]} : vector<1x1024xf32> to vector<1x128xf32>
    %iota3A_72 = tpu.iota {dimensions = array<i32: 0>} : vector<128x128xi32>
    %iota3A_73 = tpu.iota {dimensions = array<i32: 1>} : vector<128x128xi32>
    %eq3A_74 = arith.cmpi eq, %iota3A_72, %iota3A_73 : vector<128x128xi32>
    %broadcast_in_dim3A_75 = vector.shape_cast %slice3A_71 : vector<1x128xf32> to vector<1x128xf32>
    %broadcast_in_dim3A_76 = vector.broadcast %broadcast_in_dim3A_75 : vector<1x128xf32> to vector<128x128xf32>
    %jit3A_77 = arith.constant 0.000000e+00 : f32
    %broadcast_in_dim3A_78 = vector.broadcast %jit3A_77 : f32 to vector<128x128xf32>
    %select_n3A_79 = arith.select %eq3A_74, %broadcast_in_dim3A_76, %broadcast_in_dim3A_78 : vector<128x128xi1>, vector<128x128xf32>
    %reduce_sum3A_80 = arith.constant dense<0.000000e+00> : vector<128xf32>
    %reduce_sum3A_81 = vector.multi_reduction <add>, %select_n3A_79, %reduce_sum3A_80 [1] : vector<128x128xf32> to vector<128xf32>
    %broadcast_in_dim3A_82 = vector.shape_cast %reduce_sum3A_81 : vector<128xf32> to vector<128x1xf32>
    %slice3A_83 = vector.extract_strided_slice %rsqrt3A {offsets = [0, 768], sizes = [1, 128], strides = [1, 1]} : vector<1x1024xf32> to vector<1x128xf32>
    %iota3A_84 = tpu.iota {dimensions = array<i32: 0>} : vector<128x128xi32>
    %iota3A_85 = tpu.iota {dimensions = array<i32: 1>} : vector<128x128xi32>
    %eq3A_86 = arith.cmpi eq, %iota3A_84, %iota3A_85 : vector<128x128xi32>
    %broadcast_in_dim3A_87 = vector.shape_cast %slice3A_83 : vector<1x128xf32> to vector<1x128xf32>
    %broadcast_in_dim3A_88 = vector.broadcast %broadcast_in_dim3A_87 : vector<1x128xf32> to vector<128x128xf32>
    %jit3A_89 = arith.constant 0.000000e+00 : f32
    %broadcast_in_dim3A_90 = vector.broadcast %jit3A_89 : f32 to vector<128x128xf32>
    %select_n3A_91 = arith.select %eq3A_86, %broadcast_in_dim3A_88, %broadcast_in_dim3A_90 : vector<128x128xi1>, vector<128x128xf32>
    %reduce_sum3A_92 = arith.constant dense<0.000000e+00> : vector<128xf32>
    %reduce_sum3A_93 = vector.multi_reduction <add>, %select_n3A_91, %reduce_sum3A_92 [1] : vector<128x128xf32> to vector<128xf32>
    %broadcast_in_dim3A_94 = vector.shape_cast %reduce_sum3A_93 : vector<128xf32> to vector<128x1xf32>
    %slice3A_95 = vector.extract_strided_slice %rsqrt3A {offsets = [0, 896], sizes = [1, 128], strides = [1, 1]} : vector<1x1024xf32> to vector<1x128xf32>
    %iota3A_96 = tpu.iota {dimensions = array<i32: 0>} : vector<128x128xi32>
    %iota3A_97 = tpu.iota {dimensions = array<i32: 1>} : vector<128x128xi32>
    %eq3A_98 = arith.cmpi eq, %iota3A_96, %iota3A_97 : vector<128x128xi32>
    %broadcast_in_dim3A_99 = vector.shape_cast %slice3A_95 : vector<1x128xf32> to vector<1x128xf32>
    %broadcast_in_dim3A_100 = vector.broadcast %broadcast_in_dim3A_99 : vector<1x128xf32> to vector<128x128xf32>
    %jit3A_101 = arith.constant 0.000000e+00 : f32
    %broadcast_in_dim3A_102 = vector.broadcast %jit3A_101 : f32 to vector<128x128xf32>
    %select_n3A_103 = arith.select %eq3A_98, %broadcast_in_dim3A_100, %broadcast_in_dim3A_102 : vector<128x128xi1>, vector<128x128xf32>
    %reduce_sum3A_104 = arith.constant dense<0.000000e+00> : vector<128xf32>
    %reduce_sum3A_105 = vector.multi_reduction <add>, %select_n3A_103, %reduce_sum3A_104 [1] : vector<128x128xf32> to vector<128xf32>
    %broadcast_in_dim3A_106 = vector.shape_cast %reduce_sum3A_105 : vector<128xf32> to vector<128x1xf32>
    %concatenate3A = tpu.concatenate %broadcast_in_dim3A_22, %broadcast_in_dim3A_34, %broadcast_in_dim3A_46, %broadcast_in_dim3A_58, %broadcast_in_dim3A_70, %broadcast_in_dim3A_82, %broadcast_in_dim3A_94, %broadcast_in_dim3A_106 in 0 : vector<128x1xf32>, vector<128x1xf32>, vector<128x1xf32>, vector<128x1xf32>, vector<128x1xf32>, vector<128x1xf32>, vector<128x1xf32>, vector<128x1xf32> -> vector<1024x1xf32>
    %mul3A = vector.broadcast %concatenate3A : vector<1024x1xf32> to vector<1024x128xf32>
    %mul3A_107 = arith.mulf %dot_general3A_15, %mul3A : vector<1024x128xf32>
    %swap3A_108 = arith.constant 0 : index
    %swap3A_109 = arith.constant 0 : index
    %swap3A_110 = vector.load %arg4[%swap3A_108, %swap3A_109] : memref<1024x128xf32, #tpu.memory_space<vmem>>, vector<1024x128xf32>
    tpu.vector_store %arg4[%swap3A_108, %swap3A_109], %mul3A_107 {strides = array<i32>} : memref<1024x128xf32, #tpu.memory_space<vmem>>, vector<1024x128xf32>,
    return
  }
  func.func @transform_0(%arg0: i32) -> (i32, i32) {
    %c0_i32 = arith.constant 0 : i32
    %c0_i32_0 = arith.constant 0 : i32
    return %arg0, %c0_i32 : i32, i32
  }
  func.func @transform_1(%arg0: i32) -> (i32, i32) {
    %c0_i32 = arith.constant 0 : i32
    %c0_i32_0 = arith.constant 0 : i32
    %c0_i32_1 = arith.constant 0 : i32
    return %c0_i32, %c0_i32_0 : i32, i32
  }
  func.func @transform_2(%arg0: i32) -> (i32, i32) {
    %c0_i32 = arith.constant 0 : i32
    %c0_i32_0 = arith.constant 0 : i32
    return %c0_i32, %arg0 : i32, i32
  }
  func.func @transform_3(%arg0: i32) -> (i32, i32) {
    %c0_i32 = arith.constant 0 : i32
    %c0_i32_0 = arith.constant 0 : i32
    return %arg0, %c0_i32 : i32, i32
  }
  func.func @transform_4(%arg0: i32) -> (i32, i32, i32) {
    %c0_i32 = arith.constant 0 : i32
    %c0_i32_0 = arith.constant 0 : i32
    %c0_i32_1 = arith.constant 0 : i32
    return %arg0, %c0_i32, %c0_i32_0 : i32, i32, i32
  }
}

module attributes {stable_mosaic.version = 14 : i64} {
  func.func @_tc_layer2_body(%arg0: i32, %arg1: memref<2x1024x128xf32, #tpu.memory_space<vmem>>, %arg2: memref<1024x128xf32, #tpu.memory_space<vmem>>, %arg3: memref<1x1x1024xf32, #tpu.memory_space<vmem>>, %arg4: memref<128x128xf32, #tpu.memory_space<vmem>>, %arg5: memref<1x128xf32, #tpu.memory_space<vmem>>, %arg6: memref<1024x128xf32, #tpu.memory_space<vmem>>) attributes {dimension_semantics = [#tpu.dimension_semantics<arbitrary>], iteration_bounds = array<i64: 10>, scalar_prefetch = 0 : i64, scratch_operands = 0 : i64, tpu.core_type = #tpu.core_type<tc>, window_params = [{transform_indices = @transform_0, window_bounds = array<i64: 2, 1024, 128>}, {transform_indices = @transform_1, window_bounds = array<i64: 1024, 128>}, {transform_indices = @transform_2, window_bounds = array<i64: 1, 1, 1024>}, {pipeline_mode = #tpu.pipeline_mode<synchronous>, transform_indices = @transform_3, window_bounds = array<i64: 128, 128>}, {pipeline_mode = #tpu.pipeline_mode<synchronous>, transform_indices = @transform_4, window_bounds = array<i64: 1, 128>}, {transform_indices = @transform_5, window_bounds = array<i64: 1024, 128>}]} {
    %get3A = arith.constant 0 : index
    %get3A_0 = arith.constant 0 : index
    %get3A_1 = arith.constant 0 : index
    %get3A_2 = vector.load %arg3[%get3A, %get3A_0, %get3A_1] : memref<1x1x1024xf32, #tpu.memory_space<vmem>>, vector<1x1x1024xf32>
    %get3A_3 = vector.shape_cast %get3A_2 : vector<1x1x1024xf32> to vector<1x1024xf32>
    %slice3A = vector.extract_strided_slice %get3A_3 {offsets = [0, 0], sizes = [1, 128], strides = [1, 1]} : vector<1x1024xf32> to vector<1x128xf32>
    %iota3A = tpu.iota {dimensions = array<i32: 0>} : vector<128x128xi32>
    %iota3A_4 = tpu.iota {dimensions = array<i32: 1>} : vector<128x128xi32>
    %eq3A = arith.cmpi eq, %iota3A, %iota3A_4 : vector<128x128xi32>
    %broadcast_in_dim3A = vector.shape_cast %slice3A : vector<1x128xf32> to vector<1x128xf32>
    %broadcast_in_dim3A_5 = vector.broadcast %broadcast_in_dim3A : vector<1x128xf32> to vector<128x128xf32>
    %jit3A = arith.constant 0.000000e+00 : f32
    %broadcast_in_dim3A_6 = vector.broadcast %jit3A : f32 to vector<128x128xf32>
    %select_n3A = arith.select %eq3A, %broadcast_in_dim3A_5, %broadcast_in_dim3A_6 : vector<128x128xi1>, vector<128x128xf32>
    %reduce_sum3A = arith.constant dense<0.000000e+00> : vector<128xf32>
    %reduce_sum3A_7 = vector.multi_reduction <add>, %select_n3A, %reduce_sum3A [1] : vector<128x128xf32> to vector<128xf32>
    %broadcast_in_dim3A_8 = vector.shape_cast %reduce_sum3A_7 : vector<128xf32> to vector<128x1xf32>
    %slice3A_9 = vector.extract_strided_slice %get3A_3 {offsets = [0, 128], sizes = [1, 128], strides = [1, 1]} : vector<1x1024xf32> to vector<1x128xf32>
    %iota3A_10 = tpu.iota {dimensions = array<i32: 0>} : vector<128x128xi32>
    %iota3A_11 = tpu.iota {dimensions = array<i32: 1>} : vector<128x128xi32>
    %eq3A_12 = arith.cmpi eq, %iota3A_10, %iota3A_11 : vector<128x128xi32>
    %broadcast_in_dim3A_13 = vector.shape_cast %slice3A_9 : vector<1x128xf32> to vector<1x128xf32>
    %broadcast_in_dim3A_14 = vector.broadcast %broadcast_in_dim3A_13 : vector<1x128xf32> to vector<128x128xf32>
    %jit3A_15 = arith.constant 0.000000e+00 : f32
    %broadcast_in_dim3A_16 = vector.broadcast %jit3A_15 : f32 to vector<128x128xf32>
    %select_n3A_17 = arith.select %eq3A_12, %broadcast_in_dim3A_14, %broadcast_in_dim3A_16 : vector<128x128xi1>, vector<128x128xf32>
    %reduce_sum3A_18 = arith.constant dense<0.000000e+00> : vector<128xf32>
    %reduce_sum3A_19 = vector.multi_reduction <add>, %select_n3A_17, %reduce_sum3A_18 [1] : vector<128x128xf32> to vector<128xf32>
    %broadcast_in_dim3A_20 = vector.shape_cast %reduce_sum3A_19 : vector<128xf32> to vector<128x1xf32>
    %slice3A_21 = vector.extract_strided_slice %get3A_3 {offsets = [0, 256], sizes = [1, 128], strides = [1, 1]} : vector<1x1024xf32> to vector<1x128xf32>
    %iota3A_22 = tpu.iota {dimensions = array<i32: 0>} : vector<128x128xi32>
    %iota3A_23 = tpu.iota {dimensions = array<i32: 1>} : vector<128x128xi32>
    %eq3A_24 = arith.cmpi eq, %iota3A_22, %iota3A_23 : vector<128x128xi32>
    %broadcast_in_dim3A_25 = vector.shape_cast %slice3A_21 : vector<1x128xf32> to vector<1x128xf32>
    %broadcast_in_dim3A_26 = vector.broadcast %broadcast_in_dim3A_25 : vector<1x128xf32> to vector<128x128xf32>
    %jit3A_27 = arith.constant 0.000000e+00 : f32
    %broadcast_in_dim3A_28 = vector.broadcast %jit3A_27 : f32 to vector<128x128xf32>
    %select_n3A_29 = arith.select %eq3A_24, %broadcast_in_dim3A_26, %broadcast_in_dim3A_28 : vector<128x128xi1>, vector<128x128xf32>
    %reduce_sum3A_30 = arith.constant dense<0.000000e+00> : vector<128xf32>
    %reduce_sum3A_31 = vector.multi_reduction <add>, %select_n3A_29, %reduce_sum3A_30 [1] : vector<128x128xf32> to vector<128xf32>
    %broadcast_in_dim3A_32 = vector.shape_cast %reduce_sum3A_31 : vector<128xf32> to vector<128x1xf32>
    %slice3A_33 = vector.extract_strided_slice %get3A_3 {offsets = [0, 384], sizes = [1, 128], strides = [1, 1]} : vector<1x1024xf32> to vector<1x128xf32>
    %iota3A_34 = tpu.iota {dimensions = array<i32: 0>} : vector<128x128xi32>
    %iota3A_35 = tpu.iota {dimensions = array<i32: 1>} : vector<128x128xi32>
    %eq3A_36 = arith.cmpi eq, %iota3A_34, %iota3A_35 : vector<128x128xi32>
    %broadcast_in_dim3A_37 = vector.shape_cast %slice3A_33 : vector<1x128xf32> to vector<1x128xf32>
    %broadcast_in_dim3A_38 = vector.broadcast %broadcast_in_dim3A_37 : vector<1x128xf32> to vector<128x128xf32>
    %jit3A_39 = arith.constant 0.000000e+00 : f32
    %broadcast_in_dim3A_40 = vector.broadcast %jit3A_39 : f32 to vector<128x128xf32>
    %select_n3A_41 = arith.select %eq3A_36, %broadcast_in_dim3A_38, %broadcast_in_dim3A_40 : vector<128x128xi1>, vector<128x128xf32>
    %reduce_sum3A_42 = arith.constant dense<0.000000e+00> : vector<128xf32>
    %reduce_sum3A_43 = vector.multi_reduction <add>, %select_n3A_41, %reduce_sum3A_42 [1] : vector<128x128xf32> to vector<128xf32>
    %broadcast_in_dim3A_44 = vector.shape_cast %reduce_sum3A_43 : vector<128xf32> to vector<128x1xf32>
    %slice3A_45 = vector.extract_strided_slice %get3A_3 {offsets = [0, 512], sizes = [1, 128], strides = [1, 1]} : vector<1x1024xf32> to vector<1x128xf32>
    %iota3A_46 = tpu.iota {dimensions = array<i32: 0>} : vector<128x128xi32>
    %iota3A_47 = tpu.iota {dimensions = array<i32: 1>} : vector<128x128xi32>
    %eq3A_48 = arith.cmpi eq, %iota3A_46, %iota3A_47 : vector<128x128xi32>
    %broadcast_in_dim3A_49 = vector.shape_cast %slice3A_45 : vector<1x128xf32> to vector<1x128xf32>
    %broadcast_in_dim3A_50 = vector.broadcast %broadcast_in_dim3A_49 : vector<1x128xf32> to vector<128x128xf32>
    %jit3A_51 = arith.constant 0.000000e+00 : f32
    %broadcast_in_dim3A_52 = vector.broadcast %jit3A_51 : f32 to vector<128x128xf32>
    %select_n3A_53 = arith.select %eq3A_48, %broadcast_in_dim3A_50, %broadcast_in_dim3A_52 : vector<128x128xi1>, vector<128x128xf32>
    %reduce_sum3A_54 = arith.constant dense<0.000000e+00> : vector<128xf32>
    %reduce_sum3A_55 = vector.multi_reduction <add>, %select_n3A_53, %reduce_sum3A_54 [1] : vector<128x128xf32> to vector<128xf32>
    %broadcast_in_dim3A_56 = vector.shape_cast %reduce_sum3A_55 : vector<128xf32> to vector<128x1xf32>
    %slice3A_57 = vector.extract_strided_slice %get3A_3 {offsets = [0, 640], sizes = [1, 128], strides = [1, 1]} : vector<1x1024xf32> to vector<1x128xf32>
    %iota3A_58 = tpu.iota {dimensions = array<i32: 0>} : vector<128x128xi32>
    %iota3A_59 = tpu.iota {dimensions = array<i32: 1>} : vector<128x128xi32>
    %eq3A_60 = arith.cmpi eq, %iota3A_58, %iota3A_59 : vector<128x128xi32>
    %broadcast_in_dim3A_61 = vector.shape_cast %slice3A_57 : vector<1x128xf32> to vector<1x128xf32>
    %broadcast_in_dim3A_62 = vector.broadcast %broadcast_in_dim3A_61 : vector<1x128xf32> to vector<128x128xf32>
    %jit3A_63 = arith.constant 0.000000e+00 : f32
    %broadcast_in_dim3A_64 = vector.broadcast %jit3A_63 : f32 to vector<128x128xf32>
    %select_n3A_65 = arith.select %eq3A_60, %broadcast_in_dim3A_62, %broadcast_in_dim3A_64 : vector<128x128xi1>, vector<128x128xf32>
    %reduce_sum3A_66 = arith.constant dense<0.000000e+00> : vector<128xf32>
    %reduce_sum3A_67 = vector.multi_reduction <add>, %select_n3A_65, %reduce_sum3A_66 [1] : vector<128x128xf32> to vector<128xf32>
    %broadcast_in_dim3A_68 = vector.shape_cast %reduce_sum3A_67 : vector<128xf32> to vector<128x1xf32>
    %slice3A_69 = vector.extract_strided_slice %get3A_3 {offsets = [0, 768], sizes = [1, 128], strides = [1, 1]} : vector<1x1024xf32> to vector<1x128xf32>
    %iota3A_70 = tpu.iota {dimensions = array<i32: 0>} : vector<128x128xi32>
    %iota3A_71 = tpu.iota {dimensions = array<i32: 1>} : vector<128x128xi32>
    %eq3A_72 = arith.cmpi eq, %iota3A_70, %iota3A_71 : vector<128x128xi32>
    %broadcast_in_dim3A_73 = vector.shape_cast %slice3A_69 : vector<1x128xf32> to vector<1x128xf32>
    %broadcast_in_dim3A_74 = vector.broadcast %broadcast_in_dim3A_73 : vector<1x128xf32> to vector<128x128xf32>
    %jit3A_75 = arith.constant 0.000000e+00 : f32
    %broadcast_in_dim3A_76 = vector.broadcast %jit3A_75 : f32 to vector<128x128xf32>
    %select_n3A_77 = arith.select %eq3A_72, %broadcast_in_dim3A_74, %broadcast_in_dim3A_76 : vector<128x128xi1>, vector<128x128xf32>
    %reduce_sum3A_78 = arith.constant dense<0.000000e+00> : vector<128xf32>
    %reduce_sum3A_79 = vector.multi_reduction <add>, %select_n3A_77, %reduce_sum3A_78 [1] : vector<128x128xf32> to vector<128xf32>
    %broadcast_in_dim3A_80 = vector.shape_cast %reduce_sum3A_79 : vector<128xf32> to vector<128x1xf32>
    %slice3A_81 = vector.extract_strided_slice %get3A_3 {offsets = [0, 896], sizes = [1, 128], strides = [1, 1]} : vector<1x1024xf32> to vector<1x128xf32>
    %iota3A_82 = tpu.iota {dimensions = array<i32: 0>} : vector<128x128xi32>
    %iota3A_83 = tpu.iota {dimensions = array<i32: 1>} : vector<128x128xi32>
    %eq3A_84 = arith.cmpi eq, %iota3A_82, %iota3A_83 : vector<128x128xi32>
    %broadcast_in_dim3A_85 = vector.shape_cast %slice3A_81 : vector<1x128xf32> to vector<1x128xf32>
    %broadcast_in_dim3A_86 = vector.broadcast %broadcast_in_dim3A_85 : vector<1x128xf32> to vector<128x128xf32>
    %jit3A_87 = arith.constant 0.000000e+00 : f32
    %broadcast_in_dim3A_88 = vector.broadcast %jit3A_87 : f32 to vector<128x128xf32>
    %select_n3A_89 = arith.select %eq3A_84, %broadcast_in_dim3A_86, %broadcast_in_dim3A_88 : vector<128x128xi1>, vector<128x128xf32>
    %reduce_sum3A_90 = arith.constant dense<0.000000e+00> : vector<128xf32>
    %reduce_sum3A_91 = vector.multi_reduction <add>, %select_n3A_89, %reduce_sum3A_90 [1] : vector<128x128xf32> to vector<128xf32>
    %broadcast_in_dim3A_92 = vector.shape_cast %reduce_sum3A_91 : vector<128xf32> to vector<128x1xf32>
    %concatenate3A = tpu.concatenate %broadcast_in_dim3A_8, %broadcast_in_dim3A_20, %broadcast_in_dim3A_32, %broadcast_in_dim3A_44, %broadcast_in_dim3A_56, %broadcast_in_dim3A_68, %broadcast_in_dim3A_80, %broadcast_in_dim3A_92 in 0 : vector<128x1xf32>, vector<128x1xf32>, vector<128x1xf32>, vector<128x1xf32>, vector<128x1xf32>, vector<128x1xf32>, vector<128x1xf32>, vector<128x1xf32> -> vector<1024x1xf32>
    %get3A_93 = arith.constant 0 : index
    %get3A_94 = arith.constant 0 : index
    %get3A_95 = arith.constant 0 : index
    %get3A_96 = vector.load %arg1[%get3A_93, %get3A_94, %get3A_95] : memref<2x1024x128xf32, #tpu.memory_space<vmem>>, vector<1x1024x128xf32>
    %get3A_97 = vector.shape_cast %get3A_96 : vector<1x1024x128xf32> to vector<1024x128xf32>
    %get3A_98 = arith.constant 1 : index
    %get3A_99 = arith.constant 0 : index
    %get3A_100 = arith.constant 0 : index
    %get3A_101 = vector.load %arg1[%get3A_98, %get3A_99, %get3A_100] : memref<2x1024x128xf32, #tpu.memory_space<vmem>>, vector<1x1024x128xf32>
    %get3A_102 = vector.shape_cast %get3A_101 : vector<1x1024x128xf32> to vector<1024x128xf32>
    %add3A = arith.addf %get3A_97, %get3A_102 : vector<1024x128xf32>
    %get3A_103 = arith.constant 0 : index
    %get3A_104 = arith.constant 0 : index
    %get3A_105 = vector.load %arg2[%get3A_103, %get3A_104] : memref<1024x128xf32, #tpu.memory_space<vmem>>, vector<1024x128xf32>
    %add3A_106 = arith.addf %add3A, %get3A_105 : vector<1024x128xf32>
    %mul3A = vector.broadcast %concatenate3A : vector<1024x1xf32> to vector<1024x128xf32>
    %mul3A_107 = arith.mulf %add3A_106, %mul3A : vector<1024x128xf32>
    %get3A_108 = arith.constant 0 : index
    %get3A_109 = arith.constant 0 : index
    %get3A_110 = vector.load %arg5[%get3A_108, %get3A_109] : memref<1x128xf32, #tpu.memory_space<vmem>>, vector<1x128xf32>
    %add3A_111 = vector.broadcast %get3A_110 : vector<1x128xf32> to vector<1024x128xf32>
    %add3A_112 = arith.addf %mul3A_107, %add3A_111 : vector<1024x128xf32>
    %max3A = arith.constant 0.000000e+00 : f32
    %max3A_113 = vector.broadcast %max3A : f32 to vector<1024x128xf32>
    %max3A_114 = arith.maximumf %add3A_112, %max3A_113 : vector<1024x128xf32>
    %mul3A_115 = arith.constant 1024 : i32
    %mul3A_116 = arith.muli %arg0, %mul3A_115 : i32
    %iota3A_117 = tpu.iota {dimensions = array<i32: 0>} : vector<1024x128xi32>
    %add3A_118 = vector.broadcast %mul3A_116 : i32 to vector<1024x128xi32>
    %add3A_119 = arith.addi %add3A_118, %iota3A_117 : vector<1024x128xi32>
    %lt3A = arith.constant 10000 : i32
    %lt3A_120 = vector.broadcast %lt3A : i32 to vector<1024x128xi32>
    %lt3A_121 = arith.cmpi slt, %add3A_119, %lt3A_120 : vector<1024x128xi32>
    %jit3A_122 = arith.constant 0.000000e+00 : f32
    %broadcast_in_dim3A_123 = vector.broadcast %jit3A_122 : f32 to vector<1024x128xf32>
    %select_n3A_124 = arith.select %lt3A_121, %max3A_114, %broadcast_in_dim3A_123 : vector<1024x128xi1>, vector<1024x128xf32>
    %get3A_125 = arith.constant 0 : index
    %get3A_126 = arith.constant 0 : index
    %get3A_127 = vector.load %arg4[%get3A_125, %get3A_126] : memref<128x128xf32, #tpu.memory_space<vmem>>, vector<128x128xf32>
    %dot_general3A = arith.constant dense<0.000000e+00> : vector<1024x128xf32>
    %dot_general3A_128 = tpu.matmul %select_n3A_124, %get3A_127, %dot_general3A {dimension_numbers = #tpu.dot_dimension_numbers<[1], [0], [0], [1], [0, 0, 1, 1], [], []>, transpose_lhs_hint = false} : vector<1024x128xf32>, vector<128x128xf32>, vector<1024x128xf32> -> vector<1024x128xf32>
    %mul3A_129 = vector.broadcast %concatenate3A : vector<1024x1xf32> to vector<1024x128xf32>
    %mul3A_130 = arith.mulf %dot_general3A_128, %mul3A_129 : vector<1024x128xf32>
    %swap3A = arith.constant 0 : index
    %swap3A_131 = arith.constant 0 : index
    %swap3A_132 = vector.load %arg6[%swap3A, %swap3A_131] : memref<1024x128xf32, #tpu.memory_space<vmem>>, vector<1024x128xf32>
    tpu.vector_store %arg6[%swap3A, %swap3A_131], %mul3A_130 {strides = array<i32>} : memref<1024x128xf32, #tpu.memory_space<vmem>>, vector<1024x128xf32>,
    return
  }
  func.func @transform_0(%arg0: i32) -> (i32, i32, i32) {
    %c0_i32 = arith.constant 0 : i32
    %c0_i32_0 = arith.constant 0 : i32
    %c0_i32_1 = arith.constant 0 : i32
    return %c0_i32, %arg0, %c0_i32_0 : i32, i32, i32
  }
  func.func @transform_1(%arg0: i32) -> (i32, i32) {
    %c0_i32 = arith.constant 0 : i32
    %c0_i32_0 = arith.constant 0 : i32
    return %arg0, %c0_i32 : i32, i32
  }
  func.func @transform_2(%arg0: i32) -> (i32, i32, i32) {
    %c0_i32 = arith.constant 0 : i32
    %c0_i32_0 = arith.constant 0 : i32
    %c0_i32_1 = arith.constant 0 : i32
    return %arg0, %c0_i32, %c0_i32_0 : i32, i32, i32
  }
  func.func @transform_3(%arg0: i32) -> (i32, i32) {
    %c0_i32 = arith.constant 0 : i32
    %c0_i32_0 = arith.constant 0 : i32
    %c0_i32_1 = arith.constant 0 : i32
    return %c0_i32, %c0_i32_0 : i32, i32
  }
  func.func @transform_4(%arg0: i32) -> (i32, i32) {
    %c0_i32 = arith.constant 0 : i32
    %c0_i32_0 = arith.constant 0 : i32
    %c0_i32_1 = arith.constant 0 : i32
    return %c0_i32, %c0_i32_0 : i32, i32
  }
  func.func @transform_5(%arg0: i32) -> (i32, i32) {
    %c0_i32 = arith.constant 0 : i32
    %c0_i32_0 = arith.constant 0 : i32
    return %arg0, %c0_i32 : i32, i32
  }
}

module attributes {stable_mosaic.version = 14 : i64} {
  func.func @_tc_final_body(%arg0: i32, %arg1: memref<2x1024x128xf32, #tpu.memory_space<vmem>>, %arg2: memref<1024x128xf32, #tpu.memory_space<vmem>>, %arg3: memref<1x1x1024xf32, #tpu.memory_space<vmem>>, %arg4: memref<1x128xf32, #tpu.memory_space<vmem>>, %arg5: memref<1x128xf32, #tpu.memory_space<vmem>>, %arg6: memref<1x1xf32, #tpu.memory_space<vmem>>, %arg7: memref<1x1xf32, #tpu.memory_space<vmem>>, %arg8: memref<1x128xf32, #tpu.memory_space<vmem>>) attributes {dimension_semantics = [#tpu.dimension_semantics<arbitrary>], iteration_bounds = array<i64: 10>, scalar_prefetch = 0 : i64, scratch_operands = 1 : i64, tpu.core_type = #tpu.core_type<tc>, window_params = [{transform_indices = @transform_0, window_bounds = array<i64: 2, 1024, 128>}, {transform_indices = @transform_1, window_bounds = array<i64: 1024, 128>}, {transform_indices = @transform_2, window_bounds = array<i64: 1, 1, 1024>}, {pipeline_mode = #tpu.pipeline_mode<synchronous>, transform_indices = @transform_3, window_bounds = array<i64: 1, 128>}, {pipeline_mode = #tpu.pipeline_mode<synchronous>, transform_indices = @transform_4, window_bounds = array<i64: 1, 128>}, {pipeline_mode = #tpu.pipeline_mode<synchronous>, transform_indices = @transform_5, window_bounds = array<i64: 1, 1>}, {pipeline_mode = #tpu.pipeline_mode<synchronous>, transform_indices = @transform_6, window_bounds = array<i64: 1, 1>}]} {
    %eq3A = arith.constant 0 : i32
    %eq3A_0 = arith.cmpi eq, %arg0, %eq3A : i32
    %convert_element_type3A = arith.extui %eq3A_0 : i1 to i32
    %cond3A = arith.constant 0 : i32
    %cond3A_1 = arith.cmpi ne, %convert_element_type3A, %cond3A : i32
    scf.if %cond3A_1 {
      %broadcast_in_dim3A_142 = arith.constant 0.000000e+00 : f32
      %broadcast_in_dim3A_143 = vector.broadcast %broadcast_in_dim3A_142 : f32 to vector<1x128xf32>
      %swap3A_144 = arith.constant 0 : index
      %swap3A_145 = arith.constant 0 : index
      %swap3A_146 = vector.load %arg8[%swap3A_144, %swap3A_145] : memref<1x128xf32, #tpu.memory_space<vmem>>, vector<1x128xf32>
      tpu.vector_store %arg8[%swap3A_144, %swap3A_145], %broadcast_in_dim3A_143 {strides = array<i32>} : memref<1x128xf32, #tpu.memory_space<vmem>>, vector<1x128xf32>,
    } else {
    }
    %get3A = arith.constant 0 : index
    %get3A_2 = arith.constant 0 : index
    %get3A_3 = arith.constant 0 : index
    %get3A_4 = vector.load %arg3[%get3A, %get3A_2, %get3A_3] : memref<1x1x1024xf32, #tpu.memory_space<vmem>>, vector<1x1x1024xf32>
    %get3A_5 = vector.shape_cast %get3A_4 : vector<1x1x1024xf32> to vector<1x1024xf32>
    %slice3A = vector.extract_strided_slice %get3A_5 {offsets = [0, 0], sizes = [1, 128], strides = [1, 1]} : vector<1x1024xf32> to vector<1x128xf32>
    %iota3A = tpu.iota {dimensions = array<i32: 0>} : vector<128x128xi32>
    %iota3A_6 = tpu.iota {dimensions = array<i32: 1>} : vector<128x128xi32>
    %eq3A_7 = arith.cmpi eq, %iota3A, %iota3A_6 : vector<128x128xi32>
    %broadcast_in_dim3A = vector.shape_cast %slice3A : vector<1x128xf32> to vector<1x128xf32>
    %broadcast_in_dim3A_8 = vector.broadcast %broadcast_in_dim3A : vector<1x128xf32> to vector<128x128xf32>
    %jit3A = arith.constant 0.000000e+00 : f32
    %broadcast_in_dim3A_9 = vector.broadcast %jit3A : f32 to vector<128x128xf32>
    %select_n3A = arith.select %eq3A_7, %broadcast_in_dim3A_8, %broadcast_in_dim3A_9 : vector<128x128xi1>, vector<128x128xf32>
    %reduce_sum3A = arith.constant dense<0.000000e+00> : vector<128xf32>
    %reduce_sum3A_10 = vector.multi_reduction <add>, %select_n3A, %reduce_sum3A [1] : vector<128x128xf32> to vector<128xf32>
    %broadcast_in_dim3A_11 = vector.shape_cast %reduce_sum3A_10 : vector<128xf32> to vector<128x1xf32>
    %slice3A_12 = vector.extract_strided_slice %get3A_5 {offsets = [0, 128], sizes = [1, 128], strides = [1, 1]} : vector<1x1024xf32> to vector<1x128xf32>
    %iota3A_13 = tpu.iota {dimensions = array<i32: 0>} : vector<128x128xi32>
    %iota3A_14 = tpu.iota {dimensions = array<i32: 1>} : vector<128x128xi32>
    %eq3A_15 = arith.cmpi eq, %iota3A_13, %iota3A_14 : vector<128x128xi32>
    %broadcast_in_dim3A_16 = vector.shape_cast %slice3A_12 : vector<1x128xf32> to vector<1x128xf32>
    %broadcast_in_dim3A_17 = vector.broadcast %broadcast_in_dim3A_16 : vector<1x128xf32> to vector<128x128xf32>
    %jit3A_18 = arith.constant 0.000000e+00 : f32
    %broadcast_in_dim3A_19 = vector.broadcast %jit3A_18 : f32 to vector<128x128xf32>
    %select_n3A_20 = arith.select %eq3A_15, %broadcast_in_dim3A_17, %broadcast_in_dim3A_19 : vector<128x128xi1>, vector<128x128xf32>
    %reduce_sum3A_21 = arith.constant dense<0.000000e+00> : vector<128xf32>
    %reduce_sum3A_22 = vector.multi_reduction <add>, %select_n3A_20, %reduce_sum3A_21 [1] : vector<128x128xf32> to vector<128xf32>
    %broadcast_in_dim3A_23 = vector.shape_cast %reduce_sum3A_22 : vector<128xf32> to vector<128x1xf32>
    %slice3A_24 = vector.extract_strided_slice %get3A_5 {offsets = [0, 256], sizes = [1, 128], strides = [1, 1]} : vector<1x1024xf32> to vector<1x128xf32>
    %iota3A_25 = tpu.iota {dimensions = array<i32: 0>} : vector<128x128xi32>
    %iota3A_26 = tpu.iota {dimensions = array<i32: 1>} : vector<128x128xi32>
    %eq3A_27 = arith.cmpi eq, %iota3A_25, %iota3A_26 : vector<128x128xi32>
    %broadcast_in_dim3A_28 = vector.shape_cast %slice3A_24 : vector<1x128xf32> to vector<1x128xf32>
    %broadcast_in_dim3A_29 = vector.broadcast %broadcast_in_dim3A_28 : vector<1x128xf32> to vector<128x128xf32>
    %jit3A_30 = arith.constant 0.000000e+00 : f32
    %broadcast_in_dim3A_31 = vector.broadcast %jit3A_30 : f32 to vector<128x128xf32>
    %select_n3A_32 = arith.select %eq3A_27, %broadcast_in_dim3A_29, %broadcast_in_dim3A_31 : vector<128x128xi1>, vector<128x128xf32>
    %reduce_sum3A_33 = arith.constant dense<0.000000e+00> : vector<128xf32>
    %reduce_sum3A_34 = vector.multi_reduction <add>, %select_n3A_32, %reduce_sum3A_33 [1] : vector<128x128xf32> to vector<128xf32>
    %broadcast_in_dim3A_35 = vector.shape_cast %reduce_sum3A_34 : vector<128xf32> to vector<128x1xf32>
    %slice3A_36 = vector.extract_strided_slice %get3A_5 {offsets = [0, 384], sizes = [1, 128], strides = [1, 1]} : vector<1x1024xf32> to vector<1x128xf32>
    %iota3A_37 = tpu.iota {dimensions = array<i32: 0>} : vector<128x128xi32>
    %iota3A_38 = tpu.iota {dimensions = array<i32: 1>} : vector<128x128xi32>
    %eq3A_39 = arith.cmpi eq, %iota3A_37, %iota3A_38 : vector<128x128xi32>
    %broadcast_in_dim3A_40 = vector.shape_cast %slice3A_36 : vector<1x128xf32> to vector<1x128xf32>
    %broadcast_in_dim3A_41 = vector.broadcast %broadcast_in_dim3A_40 : vector<1x128xf32> to vector<128x128xf32>
    %jit3A_42 = arith.constant 0.000000e+00 : f32
    %broadcast_in_dim3A_43 = vector.broadcast %jit3A_42 : f32 to vector<128x128xf32>
    %select_n3A_44 = arith.select %eq3A_39, %broadcast_in_dim3A_41, %broadcast_in_dim3A_43 : vector<128x128xi1>, vector<128x128xf32>
    %reduce_sum3A_45 = arith.constant dense<0.000000e+00> : vector<128xf32>
    %reduce_sum3A_46 = vector.multi_reduction <add>, %select_n3A_44, %reduce_sum3A_45 [1] : vector<128x128xf32> to vector<128xf32>
    %broadcast_in_dim3A_47 = vector.shape_cast %reduce_sum3A_46 : vector<128xf32> to vector<128x1xf32>
    %slice3A_48 = vector.extract_strided_slice %get3A_5 {offsets = [0, 512], sizes = [1, 128], strides = [1, 1]} : vector<1x1024xf32> to vector<1x128xf32>
    %iota3A_49 = tpu.iota {dimensions = array<i32: 0>} : vector<128x128xi32>
    %iota3A_50 = tpu.iota {dimensions = array<i32: 1>} : vector<128x128xi32>
    %eq3A_51 = arith.cmpi eq, %iota3A_49, %iota3A_50 : vector<128x128xi32>
    %broadcast_in_dim3A_52 = vector.shape_cast %slice3A_48 : vector<1x128xf32> to vector<1x128xf32>
    %broadcast_in_dim3A_53 = vector.broadcast %broadcast_in_dim3A_52 : vector<1x128xf32> to vector<128x128xf32>
    %jit3A_54 = arith.constant 0.000000e+00 : f32
    %broadcast_in_dim3A_55 = vector.broadcast %jit3A_54 : f32 to vector<128x128xf32>
    %select_n3A_56 = arith.select %eq3A_51, %broadcast_in_dim3A_53, %broadcast_in_dim3A_55 : vector<128x128xi1>, vector<128x128xf32>
    %reduce_sum3A_57 = arith.constant dense<0.000000e+00> : vector<128xf32>
    %reduce_sum3A_58 = vector.multi_reduction <add>, %select_n3A_56, %reduce_sum3A_57 [1] : vector<128x128xf32> to vector<128xf32>
    %broadcast_in_dim3A_59 = vector.shape_cast %reduce_sum3A_58 : vector<128xf32> to vector<128x1xf32>
    %slice3A_60 = vector.extract_strided_slice %get3A_5 {offsets = [0, 640], sizes = [1, 128], strides = [1, 1]} : vector<1x1024xf32> to vector<1x128xf32>
    %iota3A_61 = tpu.iota {dimensions = array<i32: 0>} : vector<128x128xi32>
    %iota3A_62 = tpu.iota {dimensions = array<i32: 1>} : vector<128x128xi32>
    %eq3A_63 = arith.cmpi eq, %iota3A_61, %iota3A_62 : vector<128x128xi32>
    %broadcast_in_dim3A_64 = vector.shape_cast %slice3A_60 : vector<1x128xf32> to vector<1x128xf32>
    %broadcast_in_dim3A_65 = vector.broadcast %broadcast_in_dim3A_64 : vector<1x128xf32> to vector<128x128xf32>
    %jit3A_66 = arith.constant 0.000000e+00 : f32
    %broadcast_in_dim3A_67 = vector.broadcast %jit3A_66 : f32 to vector<128x128xf32>
    %select_n3A_68 = arith.select %eq3A_63, %broadcast_in_dim3A_65, %broadcast_in_dim3A_67 : vector<128x128xi1>, vector<128x128xf32>
    %reduce_sum3A_69 = arith.constant dense<0.000000e+00> : vector<128xf32>
    %reduce_sum3A_70 = vector.multi_reduction <add>, %select_n3A_68, %reduce_sum3A_69 [1] : vector<128x128xf32> to vector<128xf32>
    %broadcast_in_dim3A_71 = vector.shape_cast %reduce_sum3A_70 : vector<128xf32> to vector<128x1xf32>
    %slice3A_72 = vector.extract_strided_slice %get3A_5 {offsets = [0, 768], sizes = [1, 128], strides = [1, 1]} : vector<1x1024xf32> to vector<1x128xf32>
    %iota3A_73 = tpu.iota {dimensions = array<i32: 0>} : vector<128x128xi32>
    %iota3A_74 = tpu.iota {dimensions = array<i32: 1>} : vector<128x128xi32>
    %eq3A_75 = arith.cmpi eq, %iota3A_73, %iota3A_74 : vector<128x128xi32>
    %broadcast_in_dim3A_76 = vector.shape_cast %slice3A_72 : vector<1x128xf32> to vector<1x128xf32>
    %broadcast_in_dim3A_77 = vector.broadcast %broadcast_in_dim3A_76 : vector<1x128xf32> to vector<128x128xf32>
    %jit3A_78 = arith.constant 0.000000e+00 : f32
    %broadcast_in_dim3A_79 = vector.broadcast %jit3A_78 : f32 to vector<128x128xf32>
    %select_n3A_80 = arith.select %eq3A_75, %broadcast_in_dim3A_77, %broadcast_in_dim3A_79 : vector<128x128xi1>, vector<128x128xf32>
    %reduce_sum3A_81 = arith.constant dense<0.000000e+00> : vector<128xf32>
    %reduce_sum3A_82 = vector.multi_reduction <add>, %select_n3A_80, %reduce_sum3A_81 [1] : vector<128x128xf32> to vector<128xf32>
    %broadcast_in_dim3A_83 = vector.shape_cast %reduce_sum3A_82 : vector<128xf32> to vector<128x1xf32>
    %slice3A_84 = vector.extract_strided_slice %get3A_5 {offsets = [0, 896], sizes = [1, 128], strides = [1, 1]} : vector<1x1024xf32> to vector<1x128xf32>
    %iota3A_85 = tpu.iota {dimensions = array<i32: 0>} : vector<128x128xi32>
    %iota3A_86 = tpu.iota {dimensions = array<i32: 1>} : vector<128x128xi32>
    %eq3A_87 = arith.cmpi eq, %iota3A_85, %iota3A_86 : vector<128x128xi32>
    %broadcast_in_dim3A_88 = vector.shape_cast %slice3A_84 : vector<1x128xf32> to vector<1x128xf32>
    %broadcast_in_dim3A_89 = vector.broadcast %broadcast_in_dim3A_88 : vector<1x128xf32> to vector<128x128xf32>
    %jit3A_90 = arith.constant 0.000000e+00 : f32
    %broadcast_in_dim3A_91 = vector.broadcast %jit3A_90 : f32 to vector<128x128xf32>
    %select_n3A_92 = arith.select %eq3A_87, %broadcast_in_dim3A_89, %broadcast_in_dim3A_91 : vector<128x128xi1>, vector<128x128xf32>
    %reduce_sum3A_93 = arith.constant dense<0.000000e+00> : vector<128xf32>
    %reduce_sum3A_94 = vector.multi_reduction <add>, %select_n3A_92, %reduce_sum3A_93 [1] : vector<128x128xf32> to vector<128xf32>
    %broadcast_in_dim3A_95 = vector.shape_cast %reduce_sum3A_94 : vector<128xf32> to vector<128x1xf32>
    %concatenate3A = tpu.concatenate %broadcast_in_dim3A_11, %broadcast_in_dim3A_23, %broadcast_in_dim3A_35, %broadcast_in_dim3A_47, %broadcast_in_dim3A_59, %broadcast_in_dim3A_71, %broadcast_in_dim3A_83, %broadcast_in_dim3A_95 in 0 : vector<128x1xf32>, vector<128x1xf32>, vector<128x1xf32>, vector<128x1xf32>, vector<128x1xf32>, vector<128x1xf32>, vector<128x1xf32>, vector<128x1xf32> -> vector<1024x1xf32>
    %get3A_96 = arith.constant 0 : index
    %get3A_97 = arith.constant 0 : index
    %get3A_98 = arith.constant 0 : index
    %get3A_99 = vector.load %arg1[%get3A_96, %get3A_97, %get3A_98] : memref<2x1024x128xf32, #tpu.memory_space<vmem>>, vector<1x1024x128xf32>
    %get3A_100 = vector.shape_cast %get3A_99 : vector<1x1024x128xf32> to vector<1024x128xf32>
    %get3A_101 = arith.constant 1 : index
    %get3A_102 = arith.constant 0 : index
    %get3A_103 = arith.constant 0 : index
    %get3A_104 = vector.load %arg1[%get3A_101, %get3A_102, %get3A_103] : memref<2x1024x128xf32, #tpu.memory_space<vmem>>, vector<1x1024x128xf32>
    %get3A_105 = vector.shape_cast %get3A_104 : vector<1x1024x128xf32> to vector<1024x128xf32>
    %add3A = arith.addf %get3A_100, %get3A_105 : vector<1024x128xf32>
    %get3A_106 = arith.constant 0 : index
    %get3A_107 = arith.constant 0 : index
    %get3A_108 = vector.load %arg2[%get3A_106, %get3A_107] : memref<1024x128xf32, #tpu.memory_space<vmem>>, vector<1024x128xf32>
    %add3A_109 = arith.addf %add3A, %get3A_108 : vector<1024x128xf32>
    %mul3A = vector.broadcast %concatenate3A : vector<1024x1xf32> to vector<1024x128xf32>
    %mul3A_110 = arith.mulf %add3A_109, %mul3A : vector<1024x128xf32>
    %get3A_111 = arith.constant 0 : index
    %get3A_112 = arith.constant 0 : index
    %get3A_113 = vector.load %arg4[%get3A_111, %get3A_112] : memref<1x128xf32, #tpu.memory_space<vmem>>, vector<1x128xf32>
    %add3A_114 = vector.broadcast %get3A_113 : vector<1x128xf32> to vector<1024x128xf32>
    %add3A_115 = arith.addf %mul3A_110, %add3A_114 : vector<1024x128xf32>
    %max3A = arith.constant 0.000000e+00 : f32
    %max3A_116 = vector.broadcast %max3A : f32 to vector<1024x128xf32>
    %max3A_117 = arith.maximumf %add3A_115, %max3A_116 : vector<1024x128xf32>
    %mul3A_118 = arith.constant 1024 : i32
    %mul3A_119 = arith.muli %arg0, %mul3A_118 : i32
    %iota3A_120 = tpu.iota {dimensions = array<i32: 0>} : vector<1024x128xi32>
    %add3A_121 = vector.broadcast %mul3A_119 : i32 to vector<1024x128xi32>
    %add3A_122 = arith.addi %add3A_121, %iota3A_120 : vector<1024x128xi32>
    %lt3A = arith.constant 10000 : i32
    %lt3A_123 = vector.broadcast %lt3A : i32 to vector<1024x128xi32>
    %lt3A_124 = arith.cmpi slt, %add3A_122, %lt3A_123 : vector<1024x128xi32>
    %jit3A_125 = arith.constant 0.000000e+00 : f32
    %broadcast_in_dim3A_126 = vector.broadcast %jit3A_125 : f32 to vector<1024x128xf32>
    %select_n3A_127 = arith.select %lt3A_124, %max3A_117, %broadcast_in_dim3A_126 : vector<1024x128xi1>, vector<1024x128xf32>
    %get3A_128 = arith.constant 0 : index
    %get3A_129 = arith.constant 0 : index
    %get3A_130 = vector.load %arg8[%get3A_128, %get3A_129] : memref<1x128xf32, #tpu.memory_space<vmem>>, vector<1x128xf32>
    %reduce_sum3A_131 = arith.constant dense<0.000000e+00> : vector<128xf32>
    %reduce_sum3A_132 = vector.multi_reduction <add>, %select_n3A_127, %reduce_sum3A_131 [0] : vector<1024x128xf32> to vector<128xf32>
    %broadcast_in_dim3A_133 = vector.shape_cast %reduce_sum3A_132 : vector<128xf32> to vector<1x128xf32>
    %add3A_134 = arith.addf %get3A_130, %broadcast_in_dim3A_133 : vector<1x128xf32>
    %swap3A = arith.constant 0 : index
    %swap3A_135 = arith.constant 0 : index
    %swap3A_136 = vector.load %arg8[%swap3A, %swap3A_135] : memref<1x128xf32, #tpu.memory_space<vmem>>, vector<1x128xf32>
    tpu.vector_store %arg8[%swap3A, %swap3A_135], %add3A_134 {strides = array<i32>} : memref<1x128xf32, #tpu.memory_space<vmem>>, vector<1x128xf32>,
    %eq3A_137 = arith.constant 9 : i32
    %eq3A_138 = arith.cmpi eq, %arg0, %eq3A_137 : i32
    %convert_element_type3A_139 = arith.extui %eq3A_138 : i1 to i32
    %cond3A_140 = arith.constant 0 : i32
    %cond3A_141 = arith.cmpi ne, %convert_element_type3A_139, %cond3A_140 : i32
    scf.if %cond3A_141 {
      %get3A_142 = arith.constant 0 : index
      %get3A_143 = arith.constant 0 : index
      %get3A_144 = vector.load %arg8[%get3A_142, %get3A_143] : memref<1x128xf32, #tpu.memory_space<vmem>>, vector<1x128xf32>
      %mul3A_145 = arith.constant 9.99999974E-5 : f32
      %mul3A_146 = vector.broadcast %mul3A_145 : f32 to vector<1x128xf32>
      %mul3A_147 = arith.mulf %get3A_144, %mul3A_146 : vector<1x128xf32>
      %get3A_148 = arith.constant 0 : index
      %get3A_149 = arith.constant 0 : index
      %get3A_150 = vector.load %arg5[%get3A_148, %get3A_149] : memref<1x128xf32, #tpu.memory_space<vmem>>, vector<1x128xf32>
      %mul3A_151 = arith.mulf %mul3A_147, %get3A_150 : vector<1x128xf32>
      %reduce_sum3A_152 = arith.constant dense<0.000000e+00> : vector<1xf32>
      %reduce_sum3A_153 = vector.multi_reduction <add>, %mul3A_151, %reduce_sum3A_152 [1] : vector<1x128xf32> to vector<1xf32>
      %broadcast_in_dim3A_154 = vector.shape_cast %reduce_sum3A_153 : vector<1xf32> to vector<1x1xf32>
      %get3A_155 = arith.constant 0 : index
      %get3A_156 = arith.constant 0 : index
      %get3A_157 = vector.load %arg6[%get3A_155, %get3A_156] : memref<1x1xf32, #tpu.memory_space<vmem>>, vector<1x1xf32>
      %add3A_158 = arith.addf %broadcast_in_dim3A_154, %get3A_157 : vector<1x1xf32>
      %swap3A_159 = arith.constant 0 : index
      %swap3A_160 = arith.constant 0 : index
      %swap3A_161 = vector.load %arg7[%swap3A_159, %swap3A_160] : memref<1x1xf32, #tpu.memory_space<vmem>>, vector<1x1xf32>
      tpu.vector_store %arg7[%swap3A_159, %swap3A_160], %add3A_158 {strides = array<i32>} : memref<1x1xf32, #tpu.memory_space<vmem>>, vector<1x1xf32>,
    } else {
    }
    return
  }
  func.func @transform_0(%arg0: i32) -> (i32, i32, i32) {
    %c0_i32 = arith.constant 0 : i32
    %c0_i32_0 = arith.constant 0 : i32
    %c0_i32_1 = arith.constant 0 : i32
    return %c0_i32, %arg0, %c0_i32_0 : i32, i32, i32
  }
  func.func @transform_1(%arg0: i32) -> (i32, i32) {
    %c0_i32 = arith.constant 0 : i32
    %c0_i32_0 = arith.constant 0 : i32
    return %arg0, %c0_i32 : i32, i32
  }
  func.func @transform_2(%arg0: i32) -> (i32, i32, i32) {
    %c0_i32 = arith.constant 0 : i32
    %c0_i32_0 = arith.constant 0 : i32
    %c0_i32_1 = arith.constant 0 : i32
    return %arg0, %c0_i32, %c0_i32_0 : i32, i32, i32
  }
  func.func @transform_3(%arg0: i32) -> (i32, i32) {
    %c0_i32 = arith.constant 0 : i32
    %c0_i32_0 = arith.constant 0 : i32
    %c0_i32_1 = arith.constant 0 : i32
    return %c0_i32, %c0_i32_0 : i32, i32
  }
  func.func @transform_4(%arg0: i32) -> (i32, i32) {
    %c0_i32 = arith.constant 0 : i32
    %c0_i32_0 = arith.constant 0 : i32
    %c0_i32_1 = arith.constant 0 : i32
    return %c0_i32, %c0_i32_0 : i32, i32
  }
  func.func @transform_5(%arg0: i32) -> (i32, i32) {
    %c0_i32 = arith.constant 0 : i32
    %c0_i32_0 = arith.constant 0 : i32
    %c0_i32_1 = arith.constant 0 : i32
    return %c0_i32, %c0_i32_0 : i32, i32
  }
  func.func @transform_6(%arg0: i32) -> (i32, i32) {
    %c0_i32 = arith.constant 0 : i32
    %c0_i32_0 = arith.constant 0 : i32
    %c0_i32_1 = arith.constant 0 : i32
    return %c0_i32, %c0_i32_0 : i32, i32
  }
}

</mosaic_0001>

<sc_bundles>
// kernel: kernel.11.cloned.1.call-start
scs
__scs_entry_jumppad:
0x0: {  	(pc) =	sbr.rel $0x88, $3  }
0x1: {  	(tag) =	ssettag $0x0;
	lr =	simm.s32 $0x1  }
0x2: {  	[smem:$0x3F99] =	sst lr;
	_ =	strace $0xD0000000  }
0x3: {  	_ = 	snop  }
0x4: {  	_ = 	snop  }
0x5: {  	_ = 	snop  }
0x6: {  	_ = 	snop  }
0x7: {  	_ = 	snop  }
__scs_overlays_trampoline_lowered:
0x8: {  	[smem:$0x3FA8] =	sst s0  }
0x9: {  	[smem:$0x3FA9] =	sst s1  }
0xa: {  	[smem:$0x3FAA] =	sst s2  }
0xb: {  	[smem:$0x3FAB] =	sst s3  }
0xc: {  	[smem:$0x3FAC] =	sst s4  }
0xd: {  	[smem:$0x3FAD] =	sst s5  }
0xe: {  	[smem:$0x3FAE] =	sst s6  }
0xf: {  	[smem:$0x3FAF] =	sst s7  }
0x10: {  	[smem:$0x3FB0] =	sst s8  }
0x11: {  	[smem:$0x3FB1] =	sst s9;
	s0 =	simm.s32 @!p0 $0x0  }
0x12: {  	s1 =	sld [smem:$0x3F97];
	s0 =	simm.s32 @p0 $0x1  }
0x13: {  	[smem:$0x3FB2] =	sst s0;
	s0 =	simm.s32 @!p1 $0x0  }
0x14: {  	s2 =	sld [smem:$0x3F96];
	s0 =	simm.s32 @p1 $0x1  }
0x15: {  	[smem:$0x3FB3] =	sst s0;
	s0 =	simm.s32 @!p2 $0x0  }
0x16: {  	s3 =	sld [smem:$0x3FDB];
	s0 =	simm.s32 @p2 $0x1  }
0x17: {  	s4 =	simm.s32 $0x1BF5;
	[smem:$0x3FB5] =	sst s0  }
0x18: {  	s0 =	sld [smem:$0x3F98];
	_ =	swait.ge [sflag:s4], $0x0  }
0x19: {  	s7 =	sld [smem:$0x3F99]  }
0x1a: {  	s8 =	sadd.s32 $0xFFFFE003, lr  }
0x1b: {  	s9 =	sadd.s32 $0xFFFFFEF7, lr;
	s5 =	simm.s32 $0xFFFFFFFF;
	p2 =	slt.u32 s8, $0xFFFFF086  }
0x1c: {  	p1 =	slt.u32 s9, $0xF7A;
	s5 =	simm.s32 @!p2 $0x0  }
0x1d: {  	s5 =	simm.s32 @p1 $0x1;
	p0 =	seq.s32 s7, s2  }
0x1e: {  	s7 =	smul.u32 @!p0 $0xF7A, s2;
	p2 =	seq.s32 @!p0 s5, $0x0  }
0x1f: {  	s9 =	smul.u32 $0xF7A, s1;
	s8 =	simm.s32 @!p0 $0x1BF5;
	p2 =	por !p2, p0  }
0x20: {  	[sflag:s8] =	ssyncset.s32 @!p0 $0xFFFFF086;
	s6 =	sadd.s32 @!p0 s3, s7;
	s7 =	simm.s32 @!p0 $0x108  }
0x21: {  	s3 =	sadd.s32 s3, s9;
	s6 =	sadd.s32 @!p0 $0x88, s6;
	s7 =	simm.s32 @p2 $0x1082  }
0x22: {  	[simem:s7], [sflag:s8] =	dma.local @!p0 [hbm:s6], $0xF7A  }
0x23: {  	s9 =	sor.u32 $0xD0000000, s2;
	s6 =	simm.s32 $0x108;
	_ =	swait.ge @!p0 [sflag:s8], $0x0  }
0x24: {  	s3 =	sadd.s32 $0x88, s3;
	s6 =	simm.s32 @!p1 $0x1082;
	[sflag:s4] =	ssyncset.s32 $0xFFFFF086  }
0x25: {  	[simem:s6], [sflag:s4] =	dma.local [hbm:s3], $0xF7A  }
0x26: {  	[smem:$0x3F99] =	sst s1;
	(tag) =	ssettag s2;
	_ =	strace s9  }
0x27: {  	s1 =	sld [smem:$0x3FA9]  }
0x28: {  	s2 =	sld [smem:$0x3FAA]  }
0x29: {  	s4 =	sld [smem:$0x3FAC]  }
0x2a: {  	p0 =	seq.s32 s5, $0x0;
	s5 =	sld [smem:$0x3FAD]  }
0x2b: {  	s6 =	sld [smem:$0x3FAE]  }
0x2c: {  	s7 =	sld [smem:$0x3FAF]  }
0x2d: {  	s3 =	simm.s32 $0x108;
	s8 =	sld [smem:$0x3FB0]  }
0x2e: {  	s3 =	simm.s32 @!p0 $0x1082;
	s9 =	sld [smem:$0x3FB1]  }
0x2f: {  	lr =	sadd.s32 s0, s3;
	s0 =	sld [smem:$0x3FA8]  }
0x30: {  	s3 =	sld [smem:$0x3FAB]  }
0x31: {  	[smem:$0x3FB4] =	sst s10  }
0x32: {  	s10 =	sld [smem:$0x3FB2];
	_ =	sdelay $0x3  }
0x33: {  	p0 =	seq.s32 s10, $0x1;
	s10 =	sld [smem:$0x3FB4];
	_ =	sdelay $0x3  }
0x34: {  	[smem:$0x3FB4] =	sst s10  }
0x35: {  	s10 =	sld [smem:$0x3FB3];
	_ =	sdelay $0x3  }
0x36: {  	p1 =	seq.s32 s10, $0x1;
	s10 =	sld [smem:$0x3FB4];
	_ =	sdelay $0x3  }
0x37: {  	[smem:$0x3FB4] =	sst s10  }
0x38: {  	s10 =	sld [smem:$0x3FB5]  }
0x39: {  	_ = 	snop;
	(pc) =	sbr.ind lr, $3  }
0x3a: {  	_ = 	snop  }
0x3b: {  	_ = 	snop  }
0x3c: {  	p2 =	seq.s32 s10, $0x1;
	s10 =	sld [smem:$0x3FB4]  }
0x3d: {  	_ =	shalt  }
0x3e: {  	_ =	shalt  }
0x3f: {  	_ =	shalt  }
0x40: {  	_ =	shalt  }
0x41: {  	_ =	shalt  }
0x42: {  	_ =	shalt  }
0x43: {  	_ =	shalt  }
0x44: {  	_ =	shalt  }
0x45: {  	_ =	shalt  }
0x46: {  	_ =	shalt  }
0x47: {  	_ =	shalt  }
0x48: {  	_ =	shalt  }
0x49: {  	_ =	shalt  }
0x4a: {  	_ =	shalt  }
0x4b: {  	_ =	shalt  }
0x4c: {  	_ =	shalt  }
0x4d: {  	_ =	shalt  }
0x4e: {  	_ =	shalt  }
0x4f: {  	_ =	shalt  }
0x50: {  	_ =	shalt  }
0x51: {  	_ =	shalt  }
0x52: {  	_ =	shalt  }
0x53: {  	_ =	shalt  }
0x54: {  	_ =	shalt  }
0x55: {  	_ =	shalt  }
0x56: {  	_ =	shalt  }
0x57: {  	_ =	shalt  }
0x58: {  	_ =	shalt  }
0x59: {  	_ =	shalt  }
0x5a: {  	_ =	shalt  }
0x5b: {  	_ =	shalt  }
0x5c: {  	_ =	shalt  }
0x5d: {  	_ =	shalt  }
0x5e: {  	_ =	shalt  }
0x5f: {  	_ =	shalt  }
0x60: {  	_ =	shalt  }
0x61: {  	_ =	shalt  }
0x62: {  	_ =	shalt  }
0x63: {  	_ =	shalt  }
0x64: {  	_ =	shalt  }
0x65: {  	_ =	shalt  }
0x66: {  	_ =	shalt  }
0x67: {  	_ =	shalt  }
0x68: {  	_ =	shalt  }
0x69: {  	_ =	shalt  }
0x6a: {  	_ =	shalt  }
0x6b: {  	_ =	shalt  }
0x6c: {  	_ =	shalt  }
0x6d: {  	_ =	shalt  }
0x6e: {  	_ =	shalt  }
0x6f: {  	_ =	shalt  }
0x70: {  	_ =	shalt  }
0x71: {  	_ =	shalt  }
0x72: {  	_ =	shalt  }
0x73: {  	_ =	shalt  }
0x74: {  	_ =	shalt  }
0x75: {  	_ =	shalt  }
0x76: {  	_ =	shalt  }
0x77: {  	_ =	shalt  }
0x78: {  	_ =	shalt  }
0x79: {  	_ =	shalt  }
0x7a: {  	_ =	shalt  }
0x7b: {  	_ =	shalt  }
0x7c: {  	_ =	shalt  }
0x7d: {  	_ =	shalt  }
0x7e: {  	_ =	shalt  }
0x7f: {  	_ =	shalt  }
0x80: {  	_ =	shalt  }
0x81: {  	_ =	shalt  }
0x82: {  	_ =	shalt  }
0x83: {  	_ =	shalt  }
0x84: {  	_ =	shalt  }
0x85: {  	_ =	shalt  }
0x86: {  	_ =	shalt  }
0x87: {  	_ =	shalt  }
.Lfunc_end0:
.L_simem_size_0:
called_computation.1_lowered:
.L_overlay_start_0:
0x88: {  	s2 =	sld [smem:$0x3FD9]  }
0x89: {  	s3 =	sld [smem:$0x3FFE];
	_ =	sdelay $0x1  }
0x8a: {  	s1 =	srdreg.scid  }
0x8b: {  	s0 =	sand.u32 $0x1, s1  }
0x8c: {  	s16 =	sshll.u32 s0, $0xA;
	s2 =	sadd.s32 s3, s2  }
0x8d: {  	s2 =	sadd.s32 s2, s16  }
0x8e: {  	[smem:$0x3FC0] =	sst s2  }
0x8f: {  	_ = 	snop  }
0x90: {  	(tm) =	ssettm $0x1  }
0x91: {  	s17 =	sld [smem:$0x3FFB];
	_ =	sdelay $0x3  }
0x92: {  	_ =	strace s17  }
0x93: {  	s2 =	sld [smem:$0x3FFC];
	_ =	sdelay $0x3  }
0x94: {  	_ =	strace s2  }
0x95: {  	s2 =	sld [smem:$0x3FFD];
	_ =	sdelay $0x3  }
0x96: {  	_ =	strace s2  }
0x97: {  	_ =	strace $0x8FFFFFFF  }
0x98: {  	s18 =	sld [smem:$0x3FDB];
	_ =	sdelay $0x1  }
0x99: {  	s19 =	simm.s32 $_scs_section_size  }
0x9a: {  	s4 =	simm.s32 $_size__tile_overlayer_lowered;
	s5 =	simm.s32 $_tile_overlayer_lowered  }
0x9b: {  	s22 =	simm.s32 $0x1BFF;
	s21 =	sshll.u32 s5, $0x1;
	s2 =	sadd.s32 s19, s18  }
0x9c: {  	s6 =	simm.s32 $0x0;
	s20 =	sshll.u32 s4, $0x1;
	s4 =	sadd.s32 s21, s2  }
0x9d: {  	[timem:s6], [sflag:s22] =	dma.local [hbm:s4], s20  }
0x9e: {  	_ =	swait.ge [sflag:s22], s20  }
0x9f: {  	s3 =	ssub.s32 $0x0, s20;
	[sflag:s22] =	ssyncset.done $0x0  }
0xa0: {  	[sflag:s22] =	ssyncadd.s32 s3;
	_ =	sdelay $0x1  }
0xa1: {  	s23 =	simm.s32 $0x1B8B  }
0xa2: {  	_ =	swait.ge [sflag:s23], $0x1  }
0xa3: {  	[sflag:s23] =	ssyncset.done $0x0  }
0xa4: {  	s25 =	simm.s32 $0x1B8E;
	s24 =	sld [smem:$0x3FFE];
	[sflag:s23] =	ssyncadd.s32 $0xFFFFFFFF  }
0xa5: {  	s26 =	simm.s32 $execute0_lowered;
	[smem:$0x3FD2] =	sst s25  }
0xa6: {  	s4 =	sshll.u32 s26, $0x1;
	_ =	strace $0x80000049;
	[dreg:$0x1] =	wrdreg $0xFFFFFFFF  }
0xa7: {  	s28 =	simm.s32 $_size_execute0_lowered;
	s2 =	sadd.s32 s2, s4;
	[dreg:$0x0] =	wrdreg $0x0  }
0xa8: {  	s4 =	sshll.u32 s28, $0x1;
	[dreg:$0x2] =	wrdreg s2  }
0xa9: {  	[dreg:$0x3] =	wrdreg s4  }
0xaa: {  	[dreg:$0x4] =	wrdreg $0xC0  }
0xab: {  	_ =	task [dreg:s6], $0x5FFFF  }
0xac: {  	[dreg:$0x1] =	wrdreg $0xFFFFFFFF  }
0xad: {  	[dreg:$0x0] =	wrdreg $0x60  }
0xae: {  	[dreg:$0x2] =	wrdreg s24  }
0xaf: {  	[dreg:$0x3] =	wrdreg $0xB8000  }
0xb0: {  	[dreg:$0x4] =	wrdreg $0x9  }
0xb1: {  	_ =	task.clear_ibuf [dreg:s6], $0x5FFFF;
	_ =	strace $0x90000049  }
0xb2: {  	s29 =	simm.s32 $0x9;
	_ =	strace $0x8000004B  }
0xb3: {  	_ =	swait.ge [sflag:s29], $0x1  }
0xb4: {  	[sflag:s29] =	ssyncadd.s32 $0xFFFFFFFF  }
0xb5: {  	_ =	strace $0x9000004B  }
0xb6: {  	_ =	sfence  }
0xb7: {  	s30 =	sld [smem:$0x0];
	_ =	sdelay $0x2  }
0xb8: {  	s31 =	sshll.u32 s1, $0xD;
	s1 =	sshrl.u32 s1, $0x2  }
0xb9: {  	s3 =	sand.u32 $0x4000, s31;
	s1 =	sadd.s32 s1, s30  }
0xba: {  	s0 =	sor.u32 s3, s0;
	s1 =	sshll.u32 s1, $0x11  }
0xbb: {  	s0 =	sor.u32 s1, s0  }
0xbc: {  	s0 =	sadd.s32 $0x8F2B, s0  }
0xbd: {  	[sflag:s0] =	ssyncadd.remote.s32 $0x1  }
0xbe: {  	_ =	sfence.sel $0xFFFF  }
0xbf: {  	[dreg:$0x0] =	wrdreg $0xFFFFFFFF;
	(pc) =	sbr.abs _section_cstart, $3  }
0xc0: {  	[dreg:$0x1] =	wrdreg $0xFFFFFFFF  }
0xc1: {  	_ =	task.clear_ibuf [dreg:s6], $0x2FFFF;
	_ =	strace $0x9FFFFFFF  }
0xc2: {  	(tm) =	ssettm $0x7FFFFFFF  }
0xc3: {  	_ =	shalt  }
tec
execute0_lowered:
.L_overlay_start_1:
0x0: {  	(tag) =	ssettag $0x1  }
0x1: {  	s6 =	rddreg [dreg:$0x0]  }
0x2: {  	s0 =	srdreg.scid;
	s2 =	rddreg [dreg:$0x1];
	s3 =	simm.s32 $0x0  }
0x3: {  	s13 =	simm.s32 $0x2800;
	s14 =	simm.s32 $0x40;
	s15 =	simm.s32 $0x7800  }
0x4: {  	s16 =	simm.s32 $0x1;
	s17 =	simm.s32 $0x9800;
	s18 =	simm.s32 $0x2  }
0x5: {  	s19 =	simm.s32 $0x3;
	s20 =	simm.s32 $0x4;
	s21 =	simm.s32 $0x7780  }
0x6: {  	s22 =	simm.s32 $0x0;
	s5 =	sand.u32 $0x1, s0;
	s0 =	stileid.u32  }
0x7: {  	[smem:$0x7FF] =	sst s3;
	s4 =	sadd.s32 $0x35400, s6;
	s9 =	smul.u32 $0x140000, s5  }
0x8: {  	s1 =	sshll.u32 s5, $0x4;
	s10 =	smul.u32 $0x14000, s0;
	s28 =	ssub.s32 $0x2, s5  }
0x9: {  	s11 =	smul.u32 $0x50000, s0;
	s5 =	sadd.s32 $0xCE00, s6;
	s1 =	sor.u32 s0, s1  }
0xa: {  	s31 =	sshll.u32 s0, $0x6;
	s29 =	sshrl.u32 s28, $0x1;
	s7 =	smul.u32 $0x500, s1  }
0xb: {  	s8 =	smul.u32 $0xA00, s1;
	s1 =	rddreg [dreg:$0x2];
	_ =	strace $0x8000004A  }
0xc: {  	s9 =	sadd.s32 s10, s9;
	s10 =	ssub.s32 s28, s29;
	s30 =	sshrl.u32 s11, $0x2  }
0xd: {  	s9 =	sshrl.u32 s9, $0x3;
	s12 =	sadd.s32 s30, s2;
	s10 =	smax.u32 s10, $0x1  }
0xe: {  	s7 =	sadd.s32 s7, s6;
	s8 =	sadd.s32 s8, s6;
	s9 =	sadd.s32 s9, s6  }
0xf: {  	s6 =	sor.u32 $0x1C05, s31;
	s11 =	sshrl.u32 s12, $0x3;
	s12 =	simm.s32 $0x5  }
0x10: {  	s7 =	sadd.s32 $0x2E00, s7;
	s8 =	sadd.s32 $0x21400, s8;
	s9 =	sadd.s32 $0x5D400, s9  }
.LBB2_1:
0x11: {  	[spmem:s11], [sflag:s6] =	dma.local [hbm:s5], $0x2800  }
0x12: {  	_ =	swait.ge [sflag:s12], $0x2800  }
0x13: {  	[sflag:s12] =	ssyncset.done $0x0  }
0x14: {  	[sflag:s12] =	ssyncadd.s32 $0xFFFFD800  }
0x15: {  	[tilespmem:s3], [sflag:$0x5] =	stream.linear.gather [hbm4b:s7+s3], $0x2800, $0x38;
	[tilespmem:$0x1F800] =	vst v63  }
0x16: {  	_ =	swait.ge [sflag:s12], $0x2800  }
0x17: {  	[sflag:s12] =	ssyncset.done $0x0  }
0x18: {  	[sflag:s12] =	ssyncadd.s32 $0xFFFFD800  }
0x19: {  	[tilespmem:s13], [sflag:$0x5] =	stream.linear.gather [hbm4b:s8+s3], $0x5000, $0x38;
	[tilespmem:$0x1F800] =	vst v63  }
0x1a: {  	_ =	swait.ge [sflag:s12], $0x5000  }
0x1b: {  	[sflag:s12] =	ssyncset.done $0x0  }
0x1c: {  	[sflag:s12] =	ssyncadd.s32 $0xFFFFB000  }
0x1d: {  	[bflag:$0x0] =	sbarrier.arrive $0xFFFF  }
0x1e: {  	[tilespmem:s15], [sflag:$0x1] =	stream.indirect.gather [hbm4b:s4+s14], $0x80, s3, s14, $0xb8;
	[tilespmem:$0x1F800] =	vst v63  }
0x1f: {  	_ =	swait.ge [sflag:s16], $0x2000  }
0x20: {  	[sflag:s16] =	ssyncset.done $0x0  }
0x21: {  	[sflag:s16] =	ssyncadd.s32 $0xFFFFE000  }
0x22: {  	[tilespmem:s17], [sflag:$0x2] =	stream.indirect.gather [hbm4b:s4+s14], $0x80, s14, s14, $0xb8;
	[tilespmem:$0x1F800] =	vst v63  }
0x23: {  	_ = 	snop  }
0x24: {  	[spmem:s2] =	stream.indirect.scatter.add.f32 [tilespmem:s15], [sflag:$0x3], $0x80, s13, s14, $0xb8;
	[tilespmem:$0x1F800] =	vst v63  }
0x25: {  	_ =	swait.ge [sflag:s18], $0x2000  }
0x26: {  	[sflag:s18] =	ssyncset.done $0x0  }
0x27: {  	[sflag:s18] =	ssyncadd.s32 $0xFFFFE000  }
0x28: {  	_ =	swait.ge [sflag:s19], $0x2000  }
0x29: {  	[sflag:s19] =	ssyncset.done $0x0  }
0x2a: {  	s23 =	simm.s32 $0x80;
	[sflag:s19] =	ssyncadd.s32 $0xFFFFE000  }
0x2b: {  	[tilespmem:s15], [sflag:$0x1] =	stream.indirect.gather [hbm4b:s4+s14], $0x80, s23, s14, $0xb8;
	[tilespmem:$0x1F800] =	vst v63  }
0x2c: {  	s30 =	simm.s32 $0x2880  }
0x2d: {  	[spmem:s2] =	stream.indirect.scatter.add.f32 [tilespmem:s17], [sflag:$0x4], $0x80, s30, s14, $0xb8;
	[tilespmem:$0x1F800] =	vst v63  }
0x2e: {  	_ =	swait.ge [sflag:s16], $0x2000  }
0x2f: {  	[sflag:s16] =	ssyncset.done $0x0  }
0x30: {  	[sflag:s16] =	ssyncadd.s32 $0xFFFFE000  }
0x31: {  	_ =	swait.ge [sflag:s20], $0x2000  }
0x32: {  	s31 =	simm.s32 $0xC0;
	s24 =	simm.s32 $0xFFFF6400;
	[sflag:s20] =	ssyncset.done $0x0  }
0x33: {  	s25 =	simm.s32 $0x2A00;
	s23 =	simm.s32 $0x2900;
	[sflag:s20] =	ssyncadd.s32 $0xFFFFE000  }
0x34: {  	[tilespmem:s17], [sflag:$0x2] =	stream.indirect.gather [hbm4b:s4+s14], $0x80, s31, s14, $0xb8;
	[tilespmem:$0x1F800] =	vst v63  }
.LBB2_2:
0x35: {  	[spmem:s2] =	stream.indirect.scatter.add.f32 [tilespmem:s15], [sflag:$0x3], $0x80, s23, s14, $0xb8;
	[tilespmem:$0x1F800] =	vst v63  }
0x36: {  	s26 =	smov.u32 s24;
	s23 =	smov.u32 s25  }
0x37: {  	p0 =	sne.s32 s24, $0xFFFFFE00;
	s24 =	sadd.s32 $0x200, s24;
	_ =	swait.ge [sflag:s18], $0x2000  }
0x38: {  	[sflag:s18] =	ssyncset.done $0x0  }
0x39: {  	[sflag:s18] =	ssyncadd.s32 $0xFFFFE000  }
0x3a: {  	_ =	swait.ge [sflag:s19], $0x2000  }
0x3b: {  	s26 =	sshra.s32 s26, $0x2;
	[sflag:s19] =	ssyncset.done $0x0  }
0x3c: {  	s28 =	sadd.s32 $0x2800, s26;
	[sflag:s19] =	ssyncadd.s32 $0xFFFFE000  }
0x3d: {  	[tilespmem:s15], [sflag:$0x1] =	stream.indirect.gather [hbm4b:s4+s14], $0x80, s28, s14, $0xb8;
	[tilespmem:$0x1F800] =	vst v63  }
0x3e: {  	s28 =	sadd.s32 $0xFFFFFF80, s25  }
0x3f: {  	[spmem:s2] =	stream.indirect.scatter.add.f32 [tilespmem:s17], [sflag:$0x4], $0x80, s28, s14, $0xb8;
	[tilespmem:$0x1F800] =	vst v63  }
0x40: {  	_ =	swait.ge [sflag:s16], $0x2000  }
0x41: {  	[sflag:s16] =	ssyncset.done $0x0  }
0x42: {  	[sflag:s16] =	ssyncadd.s32 $0xFFFFE000  }
.Ltmp0:
0x43: {  	_ =	swait.ge [sflag:s20], $0x2000;
	(pc) =	sbr.rel @p0 .LBB2_2-.Ltmp0, $4  }
0x44: {  	[sflag:s20] =	ssyncset.done $0x0  }
0x45: {  	s26 =	sadd.s32 $0x2840, s26;
	[sflag:s20] =	ssyncadd.s32 $0xFFFFE000  }
0x46: {  	[tilespmem:s17], [sflag:$0x2] =	stream.indirect.gather [hbm4b:s4+s14], $0x80, s26, s14, $0xb8;
	[tilespmem:$0x1F800] =	vst v63  }
0x47: {  	s25 =	sadd.s32 $0x100, s25  }
0x48: {  	[spmem:s2] =	stream.indirect.scatter.add.f32 [tilespmem:s15], [sflag:$0x3], $0x80, s23, s14, $0xb8;
	[tilespmem:$0x1F800] =	vst v63  }
0x49: {  	_ =	swait.ge [sflag:s18], $0x2000  }
0x4a: {  	[sflag:s18] =	ssyncset.done $0x0  }
0x4b: {  	[sflag:s18] =	ssyncadd.s32 $0xFFFFE000  }
0x4c: {  	_ =	swait.ge [sflag:s19], $0x2000  }
0x4d: {  	[sflag:s19] =	ssyncset.done $0x0  }
0x4e: {  	[sflag:s19] =	ssyncadd.s32 $0xFFFFE000  }
0x4f: {  	[spmem:s2] =	stream.indirect.scatter.add.f32 [tilespmem:s17], [sflag:$0x4], $0x80, s21, s14, $0xb8;
	[tilespmem:$0x1F800] =	vst v63  }
0x50: {  	_ =	swait.ge [sflag:s20], $0x2000  }
0x51: {  	s22 =	sadd.s32 $0x1, s22;
	[sflag:s20] =	ssyncset.done $0x0  }
0x52: {  	p0 =	sne.s32 s22, s10;
	[sflag:s20] =	ssyncadd.s32 $0xFFFFE000  }
.Ltmp1:
0x53: {  	[bflag:$0x0] =	sbarrier.arrive $0xFFFF;
	(pc) =	sbr.rel @p0 .LBB2_1-.Ltmp1, $4  }
0x54: {  	[hbm:s9], [sflag:s6] =	dma.local [spmem:s11], $0x2800  }
0x55: {  	_ =	swait.ge [sflag:s12], $0x2800  }
0x56: {  	[sflag:s12] =	ssyncset.done $0x0  }
0x57: {  	[sflag:s12] =	ssyncadd.s32 $0xFFFFD800  }
0x58: {  	_ =	sfence.sel $0x180000  }
0x59: {  	[bflag:$0x0] =	sbarrier.arrive $0xFFFF  }
0x5a: {  	p0 =	sne.s32 s0, $0x0;
	_ =	strace $0x9000004A  }
0x5b: {  	s0 =	sadd.s32 @!p0 $0x100000, s1;
	[bflag:$0x2] =	sbarrier.arrive $0xFFFF  }
0x5c: {  	[sflag:s0] =	ssyncadd.tile.s32 @!p0 $0x1;
	_ =	shalt  }
.Lfunc_end2:
_tile_overlayer_lowered:
.L_overlay_start_2:
0x5d: {  	(tag) =	ssettag $0x2  }
0x5e: {  	s0 =	rddreg [dreg:$0x0];
	s2 =	stileid.u32  }
0x5f: {  	s1 =	rddreg [dreg:$0x1];
	p0 =	sne.s32 s2, $0x0  }
0x60: {  	s3 =	rddreg [dreg:$0x2];
	[bflag:$0x3] =	sbarrier.arrive $0xFFFF;
	s2 =	simm.s32 @!p0 $0x1C05  }
0x61: {  	[timem:s3], [sflag:s2] =	dma.local @!p0 [hbm:s0], s1  }
0x62: {  	s0 =	simm.s32 @!p0 $0x5  }
0x63: {  	_ =	swait.ge @!p0 [sflag:s0], s1  }
0x64: {  	s1 =	ssub.s32 @!p0 $0x0, s1;
	[sflag:s0] =	ssyncset.done @!p0 $0x0  }
0x65: {  	[sflag:s0] =	ssyncadd.s32 @!p0 s1  }
0x66: {  	[bflag:$0x3] =	sbarrier.arrive $0xFFFF  }
0x67: {  	_ =	shalt  }

// kernel: kernel.14.cloned.1.call-start
scs
__scs_entry_jumppad:
0x0: {  	(pc) =	sbr.rel $0x88, $3  }
0x1: {  	(tag) =	ssettag $0x0;
	lr =	simm.s32 $0x1  }
0x2: {  	[smem:$0x3F99] =	sst lr;
	_ =	strace $0xD0000000  }
0x3: {  	_ = 	snop  }
0x4: {  	_ = 	snop  }
0x5: {  	_ = 	snop  }
0x6: {  	_ = 	snop  }
0x7: {  	_ = 	snop  }
__scs_overlays_trampoline_lowered:
0x8: {  	[smem:$0x3FA8] =	sst s0  }
0x9: {  	[smem:$0x3FA9] =	sst s1  }
0xa: {  	[smem:$0x3FAA] =	sst s2  }
0xb: {  	[smem:$0x3FAB] =	sst s3  }
0xc: {  	[smem:$0x3FAC] =	sst s4  }
0xd: {  	[smem:$0x3FAD] =	sst s5  }
0xe: {  	[smem:$0x3FAE] =	sst s6  }
0xf: {  	[smem:$0x3FAF] =	sst s7  }
0x10: {  	[smem:$0x3FB0] =	sst s8  }
0x11: {  	[smem:$0x3FB1] =	sst s9;
	s0 =	simm.s32 @!p0 $0x0  }
0x12: {  	s1 =	sld [smem:$0x3F97];
	s0 =	simm.s32 @p0 $0x1  }
0x13: {  	[smem:$0x3FB2] =	sst s0;
	s0 =	simm.s32 @!p1 $0x0  }
0x14: {  	s2 =	sld [smem:$0x3F96];
	s0 =	simm.s32 @p1 $0x1  }
0x15: {  	[smem:$0x3FB3] =	sst s0;
	s0 =	simm.s32 @!p2 $0x0  }
0x16: {  	s3 =	sld [smem:$0x3FDB];
	s0 =	simm.s32 @p2 $0x1  }
0x17: {  	s4 =	simm.s32 $0x1BF5;
	[smem:$0x3FB5] =	sst s0  }
0x18: {  	s0 =	sld [smem:$0x3F98];
	_ =	swait.ge [sflag:s4], $0x0  }
0x19: {  	s7 =	sld [smem:$0x3F99]  }
0x1a: {  	s8 =	sadd.s32 $0xFFFFE003, lr  }
0x1b: {  	s9 =	sadd.s32 $0xFFFFFEF7, lr;
	s5 =	simm.s32 $0xFFFFFFFF;
	p2 =	slt.u32 s8, $0xFFFFF086  }
0x1c: {  	p1 =	slt.u32 s9, $0xF7A;
	s5 =	simm.s32 @!p2 $0x0  }
0x1d: {  	s5 =	simm.s32 @p1 $0x1;
	p0 =	seq.s32 s7, s2  }
0x1e: {  	s7 =	smul.u32 @!p0 $0xF7A, s2;
	p2 =	seq.s32 @!p0 s5, $0x0  }
0x1f: {  	s9 =	smul.u32 $0xF7A, s1;
	s8 =	simm.s32 @!p0 $0x1BF5;
	p2 =	por !p2, p0  }
0x20: {  	[sflag:s8] =	ssyncset.s32 @!p0 $0xFFFFF086;
	s6 =	sadd.s32 @!p0 s3, s7;
	s7 =	simm.s32 @!p0 $0x108  }
0x21: {  	s3 =	sadd.s32 s3, s9;
	s6 =	sadd.s32 @!p0 $0x88, s6;
	s7 =	simm.s32 @p2 $0x1082  }
0x22: {  	[simem:s7], [sflag:s8] =	dma.local @!p0 [hbm:s6], $0xF7A  }
0x23: {  	s9 =	sor.u32 $0xD0000000, s2;
	s6 =	simm.s32 $0x108;
	_ =	swait.ge @!p0 [sflag:s8], $0x0  }
0x24: {  	s3 =	sadd.s32 $0x88, s3;
	s6 =	simm.s32 @!p1 $0x1082;
	[sflag:s4] =	ssyncset.s32 $0xFFFFF086  }
0x25: {  	[simem:s6], [sflag:s4] =	dma.local [hbm:s3], $0xF7A  }
0x26: {  	[smem:$0x3F99] =	sst s1;
	(tag) =	ssettag s2;
	_ =	strace s9  }
0x27: {  	s1 =	sld [smem:$0x3FA9]  }
0x28: {  	s2 =	sld [smem:$0x3FAA]  }
0x29: {  	s4 =	sld [smem:$0x3FAC]  }
0x2a: {  	p0 =	seq.s32 s5, $0x0;
	s5 =	sld [smem:$0x3FAD]  }
0x2b: {  	s6 =	sld [smem:$0x3FAE]  }
0x2c: {  	s7 =	sld [smem:$0x3FAF]  }
0x2d: {  	s3 =	simm.s32 $0x108;
	s8 =	sld [smem:$0x3FB0]  }
0x2e: {  	s3 =	simm.s32 @!p0 $0x1082;
	s9 =	sld [smem:$0x3FB1]  }
0x2f: {  	lr =	sadd.s32 s0, s3;
	s0 =	sld [smem:$0x3FA8]  }
0x30: {  	s3 =	sld [smem:$0x3FAB]  }
0x31: {  	[smem:$0x3FB4] =	sst s10  }
0x32: {  	s10 =	sld [smem:$0x3FB2];
	_ =	sdelay $0x3  }
0x33: {  	p0 =	seq.s32 s10, $0x1;
	s10 =	sld [smem:$0x3FB4];
	_ =	sdelay $0x3  }
0x34: {  	[smem:$0x3FB4] =	sst s10  }
0x35: {  	s10 =	sld [smem:$0x3FB3];
	_ =	sdelay $0x3  }
0x36: {  	p1 =	seq.s32 s10, $0x1;
	s10 =	sld [smem:$0x3FB4];
	_ =	sdelay $0x3  }
0x37: {  	[smem:$0x3FB4] =	sst s10  }
0x38: {  	s10 =	sld [smem:$0x3FB5]  }
0x39: {  	_ = 	snop;
	(pc) =	sbr.ind lr, $3  }
0x3a: {  	_ = 	snop  }
0x3b: {  	_ = 	snop  }
0x3c: {  	p2 =	seq.s32 s10, $0x1;
	s10 =	sld [smem:$0x3FB4]  }
0x3d: {  	_ =	shalt  }
0x3e: {  	_ =	shalt  }
0x3f: {  	_ =	shalt  }
0x40: {  	_ =	shalt  }
0x41: {  	_ =	shalt  }
0x42: {  	_ =	shalt  }
0x43: {  	_ =	shalt  }
0x44: {  	_ =	shalt  }
0x45: {  	_ =	shalt  }
0x46: {  	_ =	shalt  }
0x47: {  	_ =	shalt  }
0x48: {  	_ =	shalt  }
0x49: {  	_ =	shalt  }
0x4a: {  	_ =	shalt  }
0x4b: {  	_ =	shalt  }
0x4c: {  	_ =	shalt  }
0x4d: {  	_ =	shalt  }
0x4e: {  	_ =	shalt  }
0x4f: {  	_ =	shalt  }
0x50: {  	_ =	shalt  }
0x51: {  	_ =	shalt  }
0x52: {  	_ =	shalt  }
0x53: {  	_ =	shalt  }
0x54: {  	_ =	shalt  }
0x55: {  	_ =	shalt  }
0x56: {  	_ =	shalt  }
0x57: {  	_ =	shalt  }
0x58: {  	_ =	shalt  }
0x59: {  	_ =	shalt  }
0x5a: {  	_ =	shalt  }
0x5b: {  	_ =	shalt  }
0x5c: {  	_ =	shalt  }
0x5d: {  	_ =	shalt  }
0x5e: {  	_ =	shalt  }
0x5f: {  	_ =	shalt  }
0x60: {  	_ =	shalt  }
0x61: {  	_ =	shalt  }
0x62: {  	_ =	shalt  }
0x63: {  	_ =	shalt  }
0x64: {  	_ =	shalt  }
0x65: {  	_ =	shalt  }
0x66: {  	_ =	shalt  }
0x67: {  	_ =	shalt  }
0x68: {  	_ =	shalt  }
0x69: {  	_ =	shalt  }
0x6a: {  	_ =	shalt  }
0x6b: {  	_ =	shalt  }
0x6c: {  	_ =	shalt  }
0x6d: {  	_ =	shalt  }
0x6e: {  	_ =	shalt  }
0x6f: {  	_ =	shalt  }
0x70: {  	_ =	shalt  }
0x71: {  	_ =	shalt  }
0x72: {  	_ =	shalt  }
0x73: {  	_ =	shalt  }
0x74: {  	_ =	shalt  }
0x75: {  	_ =	shalt  }
0x76: {  	_ =	shalt  }
0x77: {  	_ =	shalt  }
0x78: {  	_ =	shalt  }
0x79: {  	_ =	shalt  }
0x7a: {  	_ =	shalt  }
0x7b: {  	_ =	shalt  }
0x7c: {  	_ =	shalt  }
0x7d: {  	_ =	shalt  }
0x7e: {  	_ =	shalt  }
0x7f: {  	_ =	shalt  }
0x80: {  	_ =	shalt  }
0x81: {  	_ =	shalt  }
0x82: {  	_ =	shalt  }
0x83: {  	_ =	shalt  }
0x84: {  	_ =	shalt  }
0x85: {  	_ =	shalt  }
0x86: {  	_ =	shalt  }
0x87: {  	_ =	shalt  }
.Lfunc_end0:
.L_simem_size_0:
called_computation.2_lowered:
.L_overlay_start_0:
0x88: {  	s2 =	sld [smem:$0x3FD9]  }
0x89: {  	s3 =	sld [smem:$0x3FFE];
	_ =	sdelay $0x1  }
0x8a: {  	s1 =	srdreg.scid  }
0x8b: {  	s0 =	sand.u32 $0x1, s1  }
0x8c: {  	s16 =	sshll.u32 s0, $0xA;
	s2 =	sadd.s32 s3, s2  }
0x8d: {  	s2 =	sadd.s32 s2, s16  }
0x8e: {  	[smem:$0x3FC0] =	sst s2  }
0x8f: {  	_ = 	snop  }
0x90: {  	(tm) =	ssettm $0x1  }
0x91: {  	s17 =	sld [smem:$0x3FFB];
	_ =	sdelay $0x3  }
0x92: {  	_ =	strace s17  }
0x93: {  	s2 =	sld [smem:$0x3FFC];
	_ =	sdelay $0x3  }
0x94: {  	_ =	strace s2  }
0x95: {  	s2 =	sld [smem:$0x3FFD];
	_ =	sdelay $0x3  }
0x96: {  	_ =	strace s2  }
0x97: {  	_ =	strace $0x8FFFFFFF  }
0x98: {  	s18 =	sld [smem:$0x3FDB];
	_ =	sdelay $0x1  }
0x99: {  	s19 =	simm.s32 $_scs_section_size  }
0x9a: {  	s4 =	simm.s32 $_size__tile_overlayer_lowered;
	s5 =	simm.s32 $_tile_overlayer_lowered  }
0x9b: {  	s22 =	simm.s32 $0x1BFF;
	s21 =	sshll.u32 s5, $0x1;
	s2 =	sadd.s32 s19, s18  }
0x9c: {  	s6 =	simm.s32 $0x0;
	s20 =	sshll.u32 s4, $0x1;
	s4 =	sadd.s32 s21, s2  }
0x9d: {  	[timem:s6], [sflag:s22] =	dma.local [hbm:s4], s20  }
0x9e: {  	_ =	swait.ge [sflag:s22], s20  }
0x9f: {  	s3 =	ssub.s32 $0x0, s20;
	[sflag:s22] =	ssyncset.done $0x0  }
0xa0: {  	[sflag:s22] =	ssyncadd.s32 s3;
	_ =	sdelay $0x1  }
0xa1: {  	s23 =	simm.s32 $0x1B8B  }
0xa2: {  	_ =	swait.ge [sflag:s23], $0x1  }
0xa3: {  	[sflag:s23] =	ssyncset.done $0x0  }
0xa4: {  	s25 =	simm.s32 $0x1B8E;
	s24 =	sld [smem:$0x3FFE];
	[sflag:s23] =	ssyncadd.s32 $0xFFFFFFFF  }
0xa5: {  	s26 =	simm.s32 $execute0_lowered;
	[smem:$0x3FD2] =	sst s25  }
0xa6: {  	s4 =	sshll.u32 s26, $0x1;
	_ =	strace $0x8000004C;
	[dreg:$0x1] =	wrdreg $0xFFFFFFFF  }
0xa7: {  	s28 =	simm.s32 $_size_execute0_lowered;
	s2 =	sadd.s32 s2, s4;
	[dreg:$0x0] =	wrdreg $0x0  }
0xa8: {  	s4 =	sshll.u32 s28, $0x1;
	[dreg:$0x2] =	wrdreg s2  }
0xa9: {  	[dreg:$0x3] =	wrdreg s4  }
0xaa: {  	[dreg:$0x4] =	wrdreg $0xC0  }
0xab: {  	_ =	task [dreg:s6], $0x5FFFF  }
0xac: {  	[dreg:$0x1] =	wrdreg $0xFFFFFFFF  }
0xad: {  	[dreg:$0x0] =	wrdreg $0x60  }
0xae: {  	[dreg:$0x2] =	wrdreg s24  }
0xaf: {  	[dreg:$0x3] =	wrdreg $0xB8000  }
0xb0: {  	[dreg:$0x4] =	wrdreg $0x9  }
0xb1: {  	_ =	task.clear_ibuf [dreg:s6], $0x5FFFF;
	_ =	strace $0x9000004C  }
0xb2: {  	s29 =	simm.s32 $0x9;
	_ =	strace $0x8000004E  }
0xb3: {  	_ =	swait.ge [sflag:s29], $0x1  }
0xb4: {  	[sflag:s29] =	ssyncadd.s32 $0xFFFFFFFF  }
0xb5: {  	_ =	strace $0x9000004E  }
0xb6: {  	_ =	sfence  }
0xb7: {  	s30 =	sld [smem:$0x0];
	_ =	sdelay $0x2  }
0xb8: {  	s31 =	sshll.u32 s1, $0xD;
	s1 =	sshrl.u32 s1, $0x2  }
0xb9: {  	s3 =	sand.u32 $0x4000, s31;
	s1 =	sadd.s32 s1, s30  }
0xba: {  	s0 =	sor.u32 s3, s0;
	s1 =	sshll.u32 s1, $0x11  }
0xbb: {  	s0 =	sor.u32 s1, s0  }
0xbc: {  	s0 =	sadd.s32 $0x8F2B, s0  }
0xbd: {  	[sflag:s0] =	ssyncadd.remote.s32 $0x1  }
0xbe: {  	_ =	sfence.sel $0xFFFF  }
0xbf: {  	[dreg:$0x0] =	wrdreg $0xFFFFFFFF;
	(pc) =	sbr.abs _section_cstart, $3  }
0xc0: {  	[dreg:$0x1] =	wrdreg $0xFFFFFFFF  }
0xc1: {  	_ =	task.clear_ibuf [dreg:s6], $0x2FFFF;
	_ =	strace $0x9FFFFFFF  }
0xc2: {  	(tm) =	ssettm $0x7FFFFFFF  }
0xc3: {  	_ =	shalt  }
tec
execute0_lowered:
.L_overlay_start_1:
0x0: {  	(tag) =	ssettag $0x1  }
0x1: {  	s6 =	rddreg [dreg:$0x0]  }
0x2: {  	s0 =	srdreg.scid;
	s2 =	rddreg [dreg:$0x1];
	s3 =	simm.s32 $0x0  }
0x3: {  	s13 =	simm.s32 $0x2800;
	s14 =	simm.s32 $0x40;
	s15 =	simm.s32 $0x7800  }
0x4: {  	s16 =	simm.s32 $0x1;
	s17 =	simm.s32 $0x9800;
	s18 =	simm.s32 $0x2  }
0x5: {  	s19 =	simm.s32 $0x3;
	s20 =	simm.s32 $0x4;
	s21 =	simm.s32 $0x7780  }
0x6: {  	s22 =	simm.s32 $0x0;
	s5 =	sand.u32 $0x1, s0;
	s0 =	stileid.u32  }
0x7: {  	[smem:$0x7FF] =	sst s3;
	s4 =	sadd.s32 $0x35400, s6;
	s9 =	smul.u32 $0x140000, s5  }
0x8: {  	s1 =	sshll.u32 s5, $0x4;
	s10 =	smul.u32 $0x14000, s0;
	s28 =	ssub.s32 $0x2, s5  }
0x9: {  	s11 =	smul.u32 $0x50000, s0;
	s5 =	sadd.s32 $0xCE00, s6;
	s1 =	sor.u32 s0, s1  }
0xa: {  	s31 =	sshll.u32 s0, $0x6;
	s29 =	sshrl.u32 s28, $0x1;
	s7 =	smul.u32 $0x500, s1  }
0xb: {  	s8 =	smul.u32 $0xA00, s1;
	s1 =	rddreg [dreg:$0x2];
	_ =	strace $0x8000004D  }
0xc: {  	s9 =	sadd.s32 s10, s9;
	s10 =	ssub.s32 s28, s29;
	s30 =	sshrl.u32 s11, $0x2  }
0xd: {  	s9 =	sshrl.u32 s9, $0x3;
	s12 =	sadd.s32 s30, s2;
	s10 =	smax.u32 s10, $0x1  }
0xe: {  	s7 =	sadd.s32 s7, s6;
	s8 =	sadd.s32 s8, s6;
	s9 =	sadd.s32 s9, s6  }
0xf: {  	s6 =	sor.u32 $0x1C05, s31;
	s11 =	sshrl.u32 s12, $0x3;
	s12 =	simm.s32 $0x5  }
0x10: {  	s7 =	sadd.s32 $0x2E00, s7;
	s8 =	sadd.s32 $0x21400, s8;
	s9 =	sadd.s32 $0x5D400, s9  }
.LBB2_1:
0x11: {  	[spmem:s11], [sflag:s6] =	dma.local [hbm:s5], $0x2800  }
0x12: {  	_ =	swait.ge [sflag:s12], $0x2800  }
0x13: {  	[sflag:s12] =	ssyncset.done $0x0  }
0x14: {  	[sflag:s12] =	ssyncadd.s32 $0xFFFFD800  }
0x15: {  	[tilespmem:s3], [sflag:$0x5] =	stream.linear.gather [hbm4b:s7+s3], $0x2800, $0x38;
	[tilespmem:$0x1F800] =	vst v63  }
0x16: {  	_ =	swait.ge [sflag:s12], $0x2800  }
0x17: {  	[sflag:s12] =	ssyncset.done $0x0  }
0x18: {  	[sflag:s12] =	ssyncadd.s32 $0xFFFFD800  }
0x19: {  	[tilespmem:s13], [sflag:$0x5] =	stream.linear.gather [hbm4b:s8+s3], $0x5000, $0x38;
	[tilespmem:$0x1F800] =	vst v63  }
0x1a: {  	_ =	swait.ge [sflag:s12], $0x5000  }
0x1b: {  	[sflag:s12] =	ssyncset.done $0x0  }
0x1c: {  	[sflag:s12] =	ssyncadd.s32 $0xFFFFB000  }
0x1d: {  	[bflag:$0x0] =	sbarrier.arrive $0xFFFF  }
0x1e: {  	[tilespmem:s15], [sflag:$0x1] =	stream.indirect.gather [hbm4b:s4+s14], $0x80, s3, s14, $0xb8;
	[tilespmem:$0x1F800] =	vst v63  }
0x1f: {  	_ =	swait.ge [sflag:s16], $0x2000  }
0x20: {  	[sflag:s16] =	ssyncset.done $0x0  }
0x21: {  	[sflag:s16] =	ssyncadd.s32 $0xFFFFE000  }
0x22: {  	[tilespmem:s17], [sflag:$0x2] =	stream.indirect.gather [hbm4b:s4+s14], $0x80, s14, s14, $0xb8;
	[tilespmem:$0x1F800] =	vst v63  }
0x23: {  	_ = 	snop  }
0x24: {  	[spmem:s2] =	stream.indirect.scatter.add.f32 [tilespmem:s15], [sflag:$0x3], $0x80, s13, s14, $0xb8;
	[tilespmem:$0x1F800] =	vst v63  }
0x25: {  	_ =	swait.ge [sflag:s18], $0x2000  }
0x26: {  	[sflag:s18] =	ssyncset.done $0x0  }
0x27: {  	[sflag:s18] =	ssyncadd.s32 $0xFFFFE000  }
0x28: {  	_ =	swait.ge [sflag:s19], $0x2000  }
0x29: {  	[sflag:s19] =	ssyncset.done $0x0  }
0x2a: {  	s23 =	simm.s32 $0x80;
	[sflag:s19] =	ssyncadd.s32 $0xFFFFE000  }
0x2b: {  	[tilespmem:s15], [sflag:$0x1] =	stream.indirect.gather [hbm4b:s4+s14], $0x80, s23, s14, $0xb8;
	[tilespmem:$0x1F800] =	vst v63  }
0x2c: {  	s30 =	simm.s32 $0x2880  }
0x2d: {  	[spmem:s2] =	stream.indirect.scatter.add.f32 [tilespmem:s17], [sflag:$0x4], $0x80, s30, s14, $0xb8;
	[tilespmem:$0x1F800] =	vst v63  }
0x2e: {  	_ =	swait.ge [sflag:s16], $0x2000  }
0x2f: {  	[sflag:s16] =	ssyncset.done $0x0  }
0x30: {  	[sflag:s16] =	ssyncadd.s32 $0xFFFFE000  }
0x31: {  	_ =	swait.ge [sflag:s20], $0x2000  }
0x32: {  	s31 =	simm.s32 $0xC0;
	s24 =	simm.s32 $0xFFFF6400;
	[sflag:s20] =	ssyncset.done $0x0  }
0x33: {  	s25 =	simm.s32 $0x2A00;
	s23 =	simm.s32 $0x2900;
	[sflag:s20] =	ssyncadd.s32 $0xFFFFE000  }
0x34: {  	[tilespmem:s17], [sflag:$0x2] =	stream.indirect.gather [hbm4b:s4+s14], $0x80, s31, s14, $0xb8;
	[tilespmem:$0x1F800] =	vst v63  }
.LBB2_2:
0x35: {  	[spmem:s2] =	stream.indirect.scatter.add.f32 [tilespmem:s15], [sflag:$0x3], $0x80, s23, s14, $0xb8;
	[tilespmem:$0x1F800] =	vst v63  }
0x36: {  	s26 =	smov.u32 s24;
	s23 =	smov.u32 s25  }
0x37: {  	p0 =	sne.s32 s24, $0xFFFFFE00;
	s24 =	sadd.s32 $0x200, s24;
	_ =	swait.ge [sflag:s18], $0x2000  }
0x38: {  	[sflag:s18] =	ssyncset.done $0x0  }
0x39: {  	[sflag:s18] =	ssyncadd.s32 $0xFFFFE000  }
0x3a: {  	_ =	swait.ge [sflag:s19], $0x2000  }
0x3b: {  	s26 =	sshra.s32 s26, $0x2;
	[sflag:s19] =	ssyncset.done $0x0  }
0x3c: {  	s28 =	sadd.s32 $0x2800, s26;
	[sflag:s19] =	ssyncadd.s32 $0xFFFFE000  }
0x3d: {  	[tilespmem:s15], [sflag:$0x1] =	stream.indirect.gather [hbm4b:s4+s14], $0x80, s28, s14, $0xb8;
	[tilespmem:$0x1F800] =	vst v63  }
0x3e: {  	s28 =	sadd.s32 $0xFFFFFF80, s25  }
0x3f: {  	[spmem:s2] =	stream.indirect.scatter.add.f32 [tilespmem:s17], [sflag:$0x4], $0x80, s28, s14, $0xb8;
	[tilespmem:$0x1F800] =	vst v63  }
0x40: {  	_ =	swait.ge [sflag:s16], $0x2000  }
0x41: {  	[sflag:s16] =	ssyncset.done $0x0  }
0x42: {  	[sflag:s16] =	ssyncadd.s32 $0xFFFFE000  }
.Ltmp0:
0x43: {  	_ =	swait.ge [sflag:s20], $0x2000;
	(pc) =	sbr.rel @p0 .LBB2_2-.Ltmp0, $4  }
0x44: {  	[sflag:s20] =	ssyncset.done $0x0  }
0x45: {  	s26 =	sadd.s32 $0x2840, s26;
	[sflag:s20] =	ssyncadd.s32 $0xFFFFE000  }
0x46: {  	[tilespmem:s17], [sflag:$0x2] =	stream.indirect.gather [hbm4b:s4+s14], $0x80, s26, s14, $0xb8;
	[tilespmem:$0x1F800] =	vst v63  }
0x47: {  	s25 =	sadd.s32 $0x100, s25  }
0x48: {  	[spmem:s2] =	stream.indirect.scatter.add.f32 [tilespmem:s15], [sflag:$0x3], $0x80, s23, s14, $0xb8;
	[tilespmem:$0x1F800] =	vst v63  }
0x49: {  	_ =	swait.ge [sflag:s18], $0x2000  }
0x4a: {  	[sflag:s18] =	ssyncset.done $0x0  }
0x4b: {  	[sflag:s18] =	ssyncadd.s32 $0xFFFFE000  }
0x4c: {  	_ =	swait.ge [sflag:s19], $0x2000  }
0x4d: {  	[sflag:s19] =	ssyncset.done $0x0  }
0x4e: {  	[sflag:s19] =	ssyncadd.s32 $0xFFFFE000  }
0x4f: {  	[spmem:s2] =	stream.indirect.scatter.add.f32 [tilespmem:s17], [sflag:$0x4], $0x80, s21, s14, $0xb8;
	[tilespmem:$0x1F800] =	vst v63  }
0x50: {  	_ =	swait.ge [sflag:s20], $0x2000  }
0x51: {  	s22 =	sadd.s32 $0x1, s22;
	[sflag:s20] =	ssyncset.done $0x0  }
0x52: {  	p0 =	sne.s32 s22, s10;
	[sflag:s20] =	ssyncadd.s32 $0xFFFFE000  }
.Ltmp1:
0x53: {  	[bflag:$0x0] =	sbarrier.arrive $0xFFFF;
	(pc) =	sbr.rel @p0 .LBB2_1-.Ltmp1, $4  }
0x54: {  	[hbm:s9], [sflag:s6] =	dma.local [spmem:s11], $0x2800  }
0x55: {  	_ =	swait.ge [sflag:s12], $0x2800  }
0x56: {  	[sflag:s12] =	ssyncset.done $0x0  }
0x57: {  	[sflag:s12] =	ssyncadd.s32 $0xFFFFD800  }
0x58: {  	_ =	sfence.sel $0x180000  }
0x59: {  	[bflag:$0x0] =	sbarrier.arrive $0xFFFF  }
0x5a: {  	p0 =	sne.s32 s0, $0x0;
	_ =	strace $0x9000004D  }
0x5b: {  	s0 =	sadd.s32 @!p0 $0x100000, s1;
	[bflag:$0x2] =	sbarrier.arrive $0xFFFF  }
0x5c: {  	[sflag:s0] =	ssyncadd.tile.s32 @!p0 $0x1;
	_ =	shalt  }
.Lfunc_end2:
_tile_overlayer_lowered:
.L_overlay_start_2:
0x5d: {  	(tag) =	ssettag $0x2  }
0x5e: {  	s0 =	rddreg [dreg:$0x0];
	s2 =	stileid.u32  }
0x5f: {  	s1 =	rddreg [dreg:$0x1];
	p0 =	sne.s32 s2, $0x0  }
0x60: {  	s3 =	rddreg [dreg:$0x2];
	[bflag:$0x3] =	sbarrier.arrive $0xFFFF;
	s2 =	simm.s32 @!p0 $0x1C05  }
0x61: {  	[timem:s3], [sflag:s2] =	dma.local @!p0 [hbm:s0], s1  }
0x62: {  	s0 =	simm.s32 @!p0 $0x5  }
0x63: {  	_ =	swait.ge @!p0 [sflag:s0], s1  }
0x64: {  	s1 =	ssub.s32 @!p0 $0x0, s1;
	[sflag:s0] =	ssyncset.done @!p0 $0x0  }
0x65: {  	[sflag:s0] =	ssyncadd.s32 @!p0 s1  }
0x66: {  	[bflag:$0x3] =	sbarrier.arrive $0xFFFF  }
0x67: {  	_ =	shalt  }

// kernel: kernel.8.cloned.1.call-start
scs
__scs_entry_jumppad:
0x0: {  	(pc) =	sbr.rel $0x88, $3  }
0x1: {  	(tag) =	ssettag $0x0;
	lr =	simm.s32 $0x1  }
0x2: {  	[smem:$0x3F99] =	sst lr;
	_ =	strace $0xD0000000  }
0x3: {  	_ = 	snop  }
0x4: {  	_ = 	snop  }
0x5: {  	_ = 	snop  }
0x6: {  	_ = 	snop  }
0x7: {  	_ = 	snop  }
__scs_overlays_trampoline_lowered:
0x8: {  	[smem:$0x3FA8] =	sst s0  }
0x9: {  	[smem:$0x3FA9] =	sst s1  }
0xa: {  	[smem:$0x3FAA] =	sst s2  }
0xb: {  	[smem:$0x3FAB] =	sst s3  }
0xc: {  	[smem:$0x3FAC] =	sst s4  }
0xd: {  	[smem:$0x3FAD] =	sst s5  }
0xe: {  	[smem:$0x3FAE] =	sst s6  }
0xf: {  	[smem:$0x3FAF] =	sst s7  }
0x10: {  	[smem:$0x3FB0] =	sst s8  }
0x11: {  	[smem:$0x3FB1] =	sst s9;
	s0 =	simm.s32 @!p0 $0x0  }
0x12: {  	s1 =	sld [smem:$0x3F97];
	s0 =	simm.s32 @p0 $0x1  }
0x13: {  	[smem:$0x3FB2] =	sst s0;
	s0 =	simm.s32 @!p1 $0x0  }
0x14: {  	s2 =	sld [smem:$0x3F96];
	s0 =	simm.s32 @p1 $0x1  }
0x15: {  	[smem:$0x3FB3] =	sst s0;
	s0 =	simm.s32 @!p2 $0x0  }
0x16: {  	s3 =	sld [smem:$0x3FDB];
	s0 =	simm.s32 @p2 $0x1  }
0x17: {  	s4 =	simm.s32 $0x1BF5;
	[smem:$0x3FB5] =	sst s0  }
0x18: {  	s0 =	sld [smem:$0x3F98];
	_ =	swait.ge [sflag:s4], $0x0  }
0x19: {  	s7 =	sld [smem:$0x3F99]  }
0x1a: {  	s8 =	sadd.s32 $0xFFFFE003, lr  }
0x1b: {  	s9 =	sadd.s32 $0xFFFFFEF7, lr;
	s5 =	simm.s32 $0xFFFFFFFF;
	p2 =	slt.u32 s8, $0xFFFFF086  }
0x1c: {  	p1 =	slt.u32 s9, $0xF7A;
	s5 =	simm.s32 @!p2 $0x0  }
0x1d: {  	s5 =	simm.s32 @p1 $0x1;
	p0 =	seq.s32 s7, s2  }
0x1e: {  	s7 =	smul.u32 @!p0 $0xF7A, s2;
	p2 =	seq.s32 @!p0 s5, $0x0  }
0x1f: {  	s9 =	smul.u32 $0xF7A, s1;
	s8 =	simm.s32 @!p0 $0x1BF5;
	p2 =	por !p2, p0  }
0x20: {  	[sflag:s8] =	ssyncset.s32 @!p0 $0xFFFFF086;
	s6 =	sadd.s32 @!p0 s3, s7;
	s7 =	simm.s32 @!p0 $0x108  }
0x21: {  	s3 =	sadd.s32 s3, s9;
	s6 =	sadd.s32 @!p0 $0x88, s6;
	s7 =	simm.s32 @p2 $0x1082  }
0x22: {  	[simem:s7], [sflag:s8] =	dma.local @!p0 [hbm:s6], $0xF7A  }
0x23: {  	s9 =	sor.u32 $0xD0000000, s2;
	s6 =	simm.s32 $0x108;
	_ =	swait.ge @!p0 [sflag:s8], $0x0  }
0x24: {  	s3 =	sadd.s32 $0x88, s3;
	s6 =	simm.s32 @!p1 $0x1082;
	[sflag:s4] =	ssyncset.s32 $0xFFFFF086  }
0x25: {  	[simem:s6], [sflag:s4] =	dma.local [hbm:s3], $0xF7A  }
0x26: {  	[smem:$0x3F99] =	sst s1;
	(tag) =	ssettag s2;
	_ =	strace s9  }
0x27: {  	s1 =	sld [smem:$0x3FA9]  }
0x28: {  	s2 =	sld [smem:$0x3FAA]  }
0x29: {  	s4 =	sld [smem:$0x3FAC]  }
0x2a: {  	p0 =	seq.s32 s5, $0x0;
	s5 =	sld [smem:$0x3FAD]  }
0x2b: {  	s6 =	sld [smem:$0x3FAE]  }
0x2c: {  	s7 =	sld [smem:$0x3FAF]  }
0x2d: {  	s3 =	simm.s32 $0x108;
	s8 =	sld [smem:$0x3FB0]  }
0x2e: {  	s3 =	simm.s32 @!p0 $0x1082;
	s9 =	sld [smem:$0x3FB1]  }
0x2f: {  	lr =	sadd.s32 s0, s3;
	s0 =	sld [smem:$0x3FA8]  }
0x30: {  	s3 =	sld [smem:$0x3FAB]  }
0x31: {  	[smem:$0x3FB4] =	sst s10  }
0x32: {  	s10 =	sld [smem:$0x3FB2];
	_ =	sdelay $0x3  }
0x33: {  	p0 =	seq.s32 s10, $0x1;
	s10 =	sld [smem:$0x3FB4];
	_ =	sdelay $0x3  }
0x34: {  	[smem:$0x3FB4] =	sst s10  }
0x35: {  	s10 =	sld [smem:$0x3FB3];
	_ =	sdelay $0x3  }
0x36: {  	p1 =	seq.s32 s10, $0x1;
	s10 =	sld [smem:$0x3FB4];
	_ =	sdelay $0x3  }
0x37: {  	[smem:$0x3FB4] =	sst s10  }
0x38: {  	s10 =	sld [smem:$0x3FB5]  }
0x39: {  	_ = 	snop;
	(pc) =	sbr.ind lr, $3  }
0x3a: {  	_ = 	snop  }
0x3b: {  	_ = 	snop  }
0x3c: {  	p2 =	seq.s32 s10, $0x1;
	s10 =	sld [smem:$0x3FB4]  }
0x3d: {  	_ =	shalt  }
0x3e: {  	_ =	shalt  }
0x3f: {  	_ =	shalt  }
0x40: {  	_ =	shalt  }
0x41: {  	_ =	shalt  }
0x42: {  	_ =	shalt  }
0x43: {  	_ =	shalt  }
0x44: {  	_ =	shalt  }
0x45: {  	_ =	shalt  }
0x46: {  	_ =	shalt  }
0x47: {  	_ =	shalt  }
0x48: {  	_ =	shalt  }
0x49: {  	_ =	shalt  }
0x4a: {  	_ =	shalt  }
0x4b: {  	_ =	shalt  }
0x4c: {  	_ =	shalt  }
0x4d: {  	_ =	shalt  }
0x4e: {  	_ =	shalt  }
0x4f: {  	_ =	shalt  }
0x50: {  	_ =	shalt  }
0x51: {  	_ =	shalt  }
0x52: {  	_ =	shalt  }
0x53: {  	_ =	shalt  }
0x54: {  	_ =	shalt  }
0x55: {  	_ =	shalt  }
0x56: {  	_ =	shalt  }
0x57: {  	_ =	shalt  }
0x58: {  	_ =	shalt  }
0x59: {  	_ =	shalt  }
0x5a: {  	_ =	shalt  }
0x5b: {  	_ =	shalt  }
0x5c: {  	_ =	shalt  }
0x5d: {  	_ =	shalt  }
0x5e: {  	_ =	shalt  }
0x5f: {  	_ =	shalt  }
0x60: {  	_ =	shalt  }
0x61: {  	_ =	shalt  }
0x62: {  	_ =	shalt  }
0x63: {  	_ =	shalt  }
0x64: {  	_ =	shalt  }
0x65: {  	_ =	shalt  }
0x66: {  	_ =	shalt  }
0x67: {  	_ =	shalt  }
0x68: {  	_ =	shalt  }
0x69: {  	_ =	shalt  }
0x6a: {  	_ =	shalt  }
0x6b: {  	_ =	shalt  }
0x6c: {  	_ =	shalt  }
0x6d: {  	_ =	shalt  }
0x6e: {  	_ =	shalt  }
0x6f: {  	_ =	shalt  }
0x70: {  	_ =	shalt  }
0x71: {  	_ =	shalt  }
0x72: {  	_ =	shalt  }
0x73: {  	_ =	shalt  }
0x74: {  	_ =	shalt  }
0x75: {  	_ =	shalt  }
0x76: {  	_ =	shalt  }
0x77: {  	_ =	shalt  }
0x78: {  	_ =	shalt  }
0x79: {  	_ =	shalt  }
0x7a: {  	_ =	shalt  }
0x7b: {  	_ =	shalt  }
0x7c: {  	_ =	shalt  }
0x7d: {  	_ =	shalt  }
0x7e: {  	_ =	shalt  }
0x7f: {  	_ =	shalt  }
0x80: {  	_ =	shalt  }
0x81: {  	_ =	shalt  }
0x82: {  	_ =	shalt  }
0x83: {  	_ =	shalt  }
0x84: {  	_ =	shalt  }
0x85: {  	_ =	shalt  }
0x86: {  	_ =	shalt  }
0x87: {  	_ =	shalt  }
.Lfunc_end0:
.L_simem_size_0:
called_computation_lowered:
.L_overlay_start_0:
0x88: {  	s2 =	sld [smem:$0x3FD9]  }
0x89: {  	s3 =	sld [smem:$0x3FFE];
	_ =	sdelay $0x1  }
0x8a: {  	s1 =	srdreg.scid  }
0x8b: {  	s0 =	sand.u32 $0x1, s1  }
0x8c: {  	s16 =	sshll.u32 s0, $0xA;
	s2 =	sadd.s32 s3, s2  }
0x8d: {  	s2 =	sadd.s32 s2, s16  }
0x8e: {  	[smem:$0x3FC0] =	sst s2  }
0x8f: {  	_ = 	snop  }
0x90: {  	(tm) =	ssettm $0x1  }
0x91: {  	s17 =	sld [smem:$0x3FFB];
	_ =	sdelay $0x3  }
0x92: {  	_ =	strace s17  }
0x93: {  	s2 =	sld [smem:$0x3FFC];
	_ =	sdelay $0x3  }
0x94: {  	_ =	strace s2  }
0x95: {  	s2 =	sld [smem:$0x3FFD];
	_ =	sdelay $0x3  }
0x96: {  	_ =	strace s2  }
0x97: {  	_ =	strace $0x8FFFFFFF  }
0x98: {  	s18 =	sld [smem:$0x3FDB];
	_ =	sdelay $0x1  }
0x99: {  	s19 =	simm.s32 $_scs_section_size  }
0x9a: {  	s4 =	simm.s32 $_size__tile_overlayer_lowered;
	s5 =	simm.s32 $_tile_overlayer_lowered  }
0x9b: {  	s22 =	simm.s32 $0x1BFF;
	s21 =	sshll.u32 s5, $0x1;
	s2 =	sadd.s32 s19, s18  }
0x9c: {  	s6 =	simm.s32 $0x0;
	s20 =	sshll.u32 s4, $0x1;
	s4 =	sadd.s32 s21, s2  }
0x9d: {  	[timem:s6], [sflag:s22] =	dma.local [hbm:s4], s20  }
0x9e: {  	_ =	swait.ge [sflag:s22], s20  }
0x9f: {  	s3 =	ssub.s32 $0x0, s20;
	[sflag:s22] =	ssyncset.done $0x0  }
0xa0: {  	[sflag:s22] =	ssyncadd.s32 s3;
	_ =	sdelay $0x1  }
0xa1: {  	s23 =	simm.s32 $0x1B8B  }
0xa2: {  	_ =	swait.ge [sflag:s23], $0x1  }
0xa3: {  	[sflag:s23] =	ssyncset.done $0x0  }
0xa4: {  	s25 =	simm.s32 $0x1B8E;
	s24 =	sld [smem:$0x3FFE];
	[sflag:s23] =	ssyncadd.s32 $0xFFFFFFFF  }
0xa5: {  	s26 =	simm.s32 $execute0_lowered;
	[smem:$0x3FD2] =	sst s25  }
0xa6: {  	s4 =	sshll.u32 s26, $0x1;
	_ =	strace $0x80000046;
	[dreg:$0x1] =	wrdreg $0xFFFFFFFF  }
0xa7: {  	s28 =	simm.s32 $_size_execute0_lowered;
	s2 =	sadd.s32 s2, s4;
	[dreg:$0x0] =	wrdreg $0x0  }
0xa8: {  	s4 =	sshll.u32 s28, $0x1;
	[dreg:$0x2] =	wrdreg s2  }
0xa9: {  	[dreg:$0x3] =	wrdreg s4  }
0xaa: {  	[dreg:$0x4] =	wrdreg $0xC0  }
0xab: {  	_ =	task [dreg:s6], $0x5FFFF  }
0xac: {  	[dreg:$0x1] =	wrdreg $0xFFFFFFFF  }
0xad: {  	[dreg:$0x0] =	wrdreg $0x60  }
0xae: {  	[dreg:$0x2] =	wrdreg s24  }
0xaf: {  	[dreg:$0x3] =	wrdreg $0x9  }
0xb0: {  	_ =	task.clear_ibuf [dreg:s6], $0x4FFFF;
	_ =	strace $0x90000046  }
0xb1: {  	s29 =	simm.s32 $0x9;
	_ =	strace $0x80000048  }
0xb2: {  	_ =	swait.ge [sflag:s29], $0x1  }
0xb3: {  	[sflag:s29] =	ssyncadd.s32 $0xFFFFFFFF  }
0xb4: {  	_ =	strace $0x90000048  }
0xb5: {  	_ =	sfence  }
0xb6: {  	s30 =	sld [smem:$0x0];
	_ =	sdelay $0x2  }
0xb7: {  	s31 =	sshll.u32 s1, $0xD;
	s1 =	sshrl.u32 s1, $0x2  }
0xb8: {  	s3 =	sand.u32 $0x4000, s31;
	s1 =	sadd.s32 s1, s30  }
0xb9: {  	s0 =	sor.u32 s3, s0;
	s1 =	sshll.u32 s1, $0x11  }
0xba: {  	s0 =	sor.u32 s1, s0  }
0xbb: {  	s0 =	sadd.s32 $0x8F2B, s0  }
0xbc: {  	[sflag:s0] =	ssyncadd.remote.s32 $0x1  }
0xbd: {  	_ =	sfence.sel $0xFFFF  }
0xbe: {  	[dreg:$0x0] =	wrdreg $0xFFFFFFFF;
	(pc) =	sbr.abs _section_cstart, $3  }
0xbf: {  	[dreg:$0x1] =	wrdreg $0xFFFFFFFF  }
0xc0: {  	_ =	task.clear_ibuf [dreg:s6], $0x2FFFF;
	_ =	strace $0x9FFFFFFF  }
0xc1: {  	(tm) =	ssettm $0x7FFFFFFF  }
tec
execute0_lowered:
.L_overlay_start_1:
0x0: {  	(tag) =	ssettag $0x1  }
0x1: {  	s0 =	srdreg.scid  }
0x2: {  	s3 =	sand.u32 $0x1, s0  }
0x3: {  	s4 =	rddreg [dreg:$0x0];
	s0 =	stileid.u32;
	s1 =	sshll.u32 s3, $0x4  }
0x4: {  	s2 =	simm.s32 $0x0;
	s7 =	simm.s32 $0x2800;
	s1 =	sor.u32 s0, s1  }
0x5: {  	s8 =	simm.s32 $0x1;
	s9 =	simm.s32 $0x80;
	s1 =	sshrl.u32 s1, $0x3  }
0x6: {  	s10 =	simm.s32 $0x400;
	s6 =	sshll.u32 s0, $0x7;
	s5 =	smul.u32 $0x14000, s1  }
0x7: {  	s11 =	simm.s32 $0x0;
	[smem:$0x7FF] =	sst s2;
	s6 =	sand.u32 $0x380, s6  }
0x8: {  	s30 =	ssub.s32 $0x2, s3;
	s3 =	sadd.s32 $0x16E00, s4;
	s5 =	sor.u32 s6, s5  }
0x9: {  	s31 =	sshrl.u32 s30, $0x1;
	s1 =	rddreg [dreg:$0x1];
	s5 =	sshrl.u32 s5, $0x3  }
0xa: {  	_ =	strace $0x80000047;
	s6 =	ssub.s32 s30, s31;
	s5 =	sadd.s32 s5, s4  }
0xb: {  	v0 =	vimm.f32 $1.000000000e+00;
	s6 =	smax.u32 s6, $0x1;
	s4 =	sadd.s32 $0xCE00, s5;
	s5 =	sadd.s32 $0x17400, s5  }
.LBB2_1:
0xc: {  	[tilespmem:s7], [sflag:$0x1] =	stream.linear.gather [hbm4b:s3+s2], $0x2800, $0x38;
	[tilespmem:$0x5000] =	vst v63  }
0xd: {  	_ =	swait.ge [sflag:s8], $0x2800  }
0xe: {  	[sflag:s8] =	ssyncset.done $0x0  }
0xf: {  	[sflag:s8] =	ssyncadd.s32 $0xFFFFD800  }
0x10: {  	[tilespmem:s2], [sflag:$0x1] =	stream.strided.gather [hbm4b:s4+s9], $0x2800, s10, s9, $0x38;
	[tilespmem:$0x5000] =	vst v63  }
0x11: {  	_ =	swait.ge [sflag:s8], $0x2800  }
0x12: {  	[sflag:s8] =	ssyncset.done $0x0  }
0x13: {  	s13 =	simm.s32 $0x0;
	s12 =	simm.s32 $0x40;
	[sflag:s8] =	ssyncadd.s32 $0xFFFFD800  }
.LBB2_2:
0x14: {  	p0 =	sne.s32 s12, $0x9FC0;
	v1 =	vld [tilespmem:s13+$0x0];
	_ =	sdelay $0x3  }
.Ltmp0:
0x15: {  	(pc) =	sbr.rel @p0 .LBB2_2-.Ltmp0, $2  }
0x16: {  	_ =	sdelay $0x2  }
0x17: {  	s13 =	sshra.s32 s12, $0x2;
	s12 =	sadd.s32 $0x40, s12;
	[tilespmem:v1+s7+$0x0] =	vst.idx.add.f32.msk $0xffff, v0  }
0x18: {  	v1 =	vld [tilespmem:s13+$0x0];
	_ =	sdelay $0x5  }
0x19: {  	s11 =	sadd.s32 $0x1, s11  }
0x1a: {  	p0 =	sne.s32 s11, s6  }
.Ltmp1:
0x1b: {  	[tilespmem:v1+s7+$0x0] =	vst.idx.add.f32.msk $0xffff, v0;
	(pc) =	sbr.rel @p0 .LBB2_1-.Ltmp1, $4  }
0x1c: {  	[hbm4b:s5+s9] =	stream.strided.scatter [tilespmem:s7], [sflag:$0x1], $0x2800, s10, s9, $0x38;
	[tilespmem:$0x5000] =	vst v63  }
0x1d: {  	_ =	swait.ge [sflag:s8], $0x2800  }
0x1e: {  	[sflag:s8] =	ssyncset.done $0x0  }
0x1f: {  	[sflag:s8] =	ssyncadd.s32 $0xFFFFD800  }
0x20: {  	_ =	sfence.sel $0x180000  }
0x21: {  	[bflag:$0x0] =	sbarrier.arrive $0xFFFF  }
0x22: {  	p0 =	sne.s32 s0, $0x0;
	_ =	strace $0x90000047  }
0x23: {  	s0 =	sadd.s32 @!p0 $0x100000, s1;
	[bflag:$0x2] =	sbarrier.arrive $0xFFFF  }
0x24: {  	[sflag:s0] =	ssyncadd.tile.s32 @!p0 $0x1;
	_ =	shalt  }
.Lfunc_end2:
_tile_overlayer_lowered:
.L_overlay_start_2:
0x25: {  	(tag) =	ssettag $0x2  }
0x26: {  	s0 =	rddreg [dreg:$0x0];
	s2 =	stileid.u32  }
0x27: {  	s1 =	rddreg [dreg:$0x1];
	p0 =	sne.s32 s2, $0x0  }
0x28: {  	s3 =	rddreg [dreg:$0x2];
	[bflag:$0x3] =	sbarrier.arrive $0xFFFF;
	s2 =	simm.s32 @!p0 $0x1C01  }
0x29: {  	[timem:s3], [sflag:s2] =	dma.local @!p0 [hbm:s0], s1  }
0x2a: {  	s0 =	simm.s32 @!p0 $0x1  }
0x2b: {  	_ =	swait.ge @!p0 [sflag:s0], s1  }
0x2c: {  	s1 =	ssub.s32 @!p0 $0x0, s1;
	[sflag:s0] =	ssyncset.done @!p0 $0x0  }
0x2d: {  	[sflag:s0] =	ssyncadd.s32 @!p0 s1  }
0x2e: {  	[bflag:$0x3] =	sbarrier.arrive $0xFFFF  }
0x2f: {  	_ =	shalt  }

</sc_bundles>
